<compile_context>
chip_gen: v7x
topology: tpu7x:2x2x1
jax: 0.10.2.dev20260603
libtpu: 0.0.44.dev20260713+nightly
codegen_flags: <defaults>
</compile_context>

<pallas_src>
import dataclasses
import functools

import jax
import jax.numpy as jnp
from jax import lax
from jax.experimental import pallas as pl
from jax.experimental.pallas import tpu as pltpu
from jax.experimental.pallas import tpu_sc as plsc

N_ATOMS = 100000
N_COLS = 6
LANES = 16
NUM_WORKERS = 32

N_TILES = 782
TPW = 25
LAST_TPW = N_TILES - 31 * TPW
Z_VALS = (6, 7, 8, 15, 16)


def _compute_tile(a_ref, o_ref, t):
    one = jnp.full((LANES,), 1.0, jnp.float32)
    zero = jnp.zeros((LANES,), jnp.float32)
    for l in range(8):
        a16 = a_ref[pl.ds(t * 128 + l * LANES, LANES)]
        vals = [jnp.where(a16 == z, one, zero) for z in Z_VALS]
        v5 = one - (vals[0] + vals[1] + vals[2] + vals[3] + vals[4])
        vals.append(v5)
        for j in range(N_COLS):
            o_ref[t, j, pl.ds(l * LANES, LANES)] = vals[j]


def _worker_body(a_ref, o_ref, ntiles):
    @plsc.parallel_loop(0, ntiles)
    def _(t):
        _compute_tile(a_ref, o_ref, t)


SLAB = 5


def _sc_kernel(a_hbm, out_hbm, a_v, o_v, sem):
    wid = lax.axis_index("s") * 2 + lax.axis_index("c")

    @pl.when(wid < 31)
    def _():
        base = wid * (TPW * 128)
        pltpu.sync_copy(a_hbm.at[pl.ds(base, TPW * 128)], a_v)

        @pl.loop(0, TPW // SLAB)
        def _(s):
            @plsc.parallel_loop(0, SLAB, unroll=2)
            def _(t):
                _compute_tile(a_v, o_v, s * SLAB + t)

            pltpu.async_copy(
                o_v.at[pl.ds(s * SLAB, SLAB)],
                out_hbm.at[pl.ds(wid * TPW + s * SLAB, SLAB)],
                sem,
            )

        pltpu.make_async_copy(out_hbm.at[pl.ds(0, TPW)], o_v, sem).wait()

    @pl.when(wid == 31)
    def _():
        base = 31 * (TPW * 128)
        pltpu.sync_copy(
            a_hbm.at[pl.ds(base, N_ATOMS - base)],
            a_v.at[pl.ds(0, N_ATOMS - base)],
        )
        _worker_body(a_v, o_v, LAST_TPW)
        pltpu.sync_copy(
            o_v.at[pl.ds(0, LAST_TPW)], out_hbm.at[pl.ds(31 * TPW, LAST_TPW)]
        )


def _compiler_params():
    cp = pltpu.CompilerParams()
    if "needs_layout_passes" in pltpu.CompilerParams.__dataclass_fields__:
        cp = dataclasses.replace(cp, needs_layout_passes=False)
    return cp


@jax.jit
def _embed(atomic_numbers):
    mesh = plsc.VectorSubcoreMesh(core_axis_name="c", subcore_axis_name="s")
    run = pl.kernel(
        _sc_kernel,
        out_type=jax.ShapeDtypeStruct((N_TILES, 8, 128), jnp.float32),
        mesh=mesh,
        compiler_params=_compiler_params(),
        scratch_types=[
            pltpu.VMEM((TPW * 128,), jnp.int32),
            pltpu.VMEM((TPW, 8, 128), jnp.float32),
            pltpu.SemaphoreType.DMA,
        ],
    )
    t = run(atomic_numbers)
    return t.transpose(1, 0, 2).reshape(8, N_TILES * 128)[:N_COLS, :N_ATOMS].T


def kernel(atomic_numbers):
    return _embed(atomic_numbers)

# --- scband reference (transcript-rebuilt; emitter-appended) ---
"""Pipeline reference for scband-atom-one-hot-embed-49039936586129 (READ-ONLY COPY).

The authoritative reference and input builder live on the scoring server;
editing this copy changes nothing except your own understanding.
"""

import jax, jax.numpy as jnp
import numpy as np

N_ATOMS = 100000
MAX_Z = 20


def setup_inputs(seed: int = 0) -> dict:
    key = jax.random.key(seed)
    atomic_numbers = jax.random.randint(key, (N_ATOMS,), 0, MAX_Z, dtype=jnp.int32)
    return {"atomic_numbers": atomic_numbers}


def reference(atomic_numbers) -> jnp.ndarray:
    # Faithful translation of AtomOneHotEmbed.forward:
    #   idx_map = {6:0, 7:1, 8:2, 15:3, 16:4}; everything else -> column 5.
    # Vectorized as a small lookup table + gather + one-hot scatter.
    lut = jnp.full((MAX_Z,), 5, dtype=jnp.int32)
    lut = lut.at[jnp.array([6, 7, 8, 15, 16], dtype=jnp.int32)].set(
        jnp.array([0, 1, 2, 3, 4], dtype=jnp.int32)
    )
    # gather: map atomic number -> embedding column index
    col_idx = jnp.take(lut, atomic_numbers, axis=0)
    # one-hot scatter into (n_atoms, 6)
    embedded_atoms = jnp.zeros((atomic_numbers.shape[0], 6), dtype=jnp.float32)
    rows = jnp.arange(atomic_numbers.shape[0])
    embedded_atoms = embedded_atoms.at[rows, col_idx].set(1.0)
    return embedded_atoms

if __name__ == "__main__":
    import jax
    _d = setup_inputs()
    print(jax.jit(kernel)(*tuple(_d.values())))

</pallas_src>

<mosaic_0001>
#map = affine_map<(d0, d1) -> (0)>
#map1 = affine_map<(d0, d1) -> (0, 0, 0)>
module attributes {stable_mosaic.version = 14 : i64} {
  func.func @_sc_kernel(%arg0: i32, %arg1: i32, %arg2: memref<100000xi32, #tpu.memory_space<hbm>>, %arg3: memref<782x8x128xf32, #tpu.memory_space<hbm>>, %arg4: memref<3200xi32, #tpu.memory_space<vmem>>, %arg5: memref<25x8x128xf32, #tpu.memory_space<vmem>>, %arg6: memref<!tpu.dma_semaphore, #tpu.memory_space<semaphore_mem>>) attributes {dimension_semantics = [#tpu.dimension_semantics<core_parallel>, #tpu.dimension_semantics<subcore_parallel>], iteration_bounds = array<i64: 2, 16>, scalar_prefetch = 0 : i64, scratch_operands = 3 : i64, tpu.core_type = #tpu.core_type<sc_vector_subcore>, window_params = [{transform_indices = #map}, {transform_indices = #map1}]} {
    %mul3A = arith.constant 2 : i32
    %mul3A_0 = arith.muli %arg1, %mul3A : i32
    %add3A = arith.addi %mul3A_0, %arg0 : i32
    %lt3A = arith.constant 31 : i32
    %lt3A_1 = arith.cmpi slt, %add3A, %lt3A : i32
    %convert_element_type3A = arith.extui %lt3A_1 : i1 to i32
    %cond3A = arith.constant 0 : i32
    %cond3A_2 = arith.cmpi ne, %convert_element_type3A, %cond3A : i32
    scf.if %cond3A_2 {
      %mul3A_7 = arith.constant 3200 : i32
      %mul3A_8 = arith.muli %add3A, %mul3A_7 : i32
      "tpu.region"() ({
        %run_scoped3A = tpu.sem_alloc : memref<!tpu.dma_semaphore, #tpu.memory_space<semaphore_mem>>
        %dma_start3A = tpu.memref_slice %arg2[%mul3A_8] : memref<100000xi32, #tpu.memory_space<hbm>> -> memref<3200xi32, #tpu.memory_space<hbm>>
        %dma_start3A_20 = tpu.memref_slice %arg2[%mul3A_8] : memref<100000xi32, #tpu.memory_space<hbm>> -> memref<3200xi32, #tpu.memory_space<hbm>>
        tpu.enqueue_dma source(%dma_start3A_20 : memref<3200xi32, #tpu.memory_space<hbm>>) target(%arg4 : memref<3200xi32, #tpu.memory_space<vmem>>) target_semaphore(%run_scoped3A : memref<!tpu.dma_semaphore, #tpu.memory_space<semaphore_mem>>)
        %dma_wait3A_21 = tpu.memref_slice %arg2[%mul3A_8] : memref<100000xi32, #tpu.memory_space<hbm>> -> memref<3200xi32, #tpu.memory_space<hbm>>
        %dma_wait3A_22 = tpu.memref_slice %arg2[%mul3A_8] : memref<100000xi32, #tpu.memory_space<hbm>> -> memref<3200xi32, #tpu.memory_space<hbm>>
        tpu.wait_dma2 semaphore(%run_scoped3A : memref<!tpu.dma_semaphore, #tpu.memory_space<semaphore_mem>>) src(%dma_wait3A_22 : memref<3200xi32, #tpu.memory_space<hbm>>) dst(%arg4 : memref<3200xi32, #tpu.memory_space<vmem>>)
        tpu.yield
      }) : () -> ()
      %scan3A = arith.constant 0 : i32
      %scan3A_9 = arith.constant 5 : i32
      %scan3A_10 = arith.addi %scan3A, %scan3A_9 : i32
      %scan3A_11 = arith.constant 1 : i32
      scf.for %scan3A_20 = %scan3A to %scan3A_10 step %scan3A_11  : i32 {
        %mul3A_21 = arith.constant 1 : i32
        %mul3A_22 = arith.muli %scan3A_20, %mul3A_21 : i32
        %add3A_23 = arith.constant 0 : i32
        %add3A_24 = arith.addi %add3A_23, %mul3A_22 : i32
        %parallel_loop3A = arith.constant 0 : i32
        %parallel_loop3A_25 = arith.constant 5 : i32
        %parallel_loop3A_26 = arith.constant 1 : i32
        scf.for %parallel_loop3A_45 = %parallel_loop3A to %parallel_loop3A_25 step %parallel_loop3A_26  : i32 {
          %parallel_loop3A_46 = arith.constant 5 : i32
          %parallel_loop3A_47 = arith.muli %add3A_24, %parallel_loop3A_46 : i32
          %parallel_loop3A_48 = arith.addi %parallel_loop3A_47, %parallel_loop3A_45 : i32
          %parallel_loop3A_49 = arith.constant 1.000000e+00 : f32
          %parallel_loop3A_50 = vector.broadcast %parallel_loop3A_49 : f32 to vector<16xf32>
          %parallel_loop3A_51 = arith.constant 0.000000e+00 : f32
          %parallel_loop3A_52 = vector.broadcast %parallel_loop3A_51 : f32 to vector<16xf32>
          %parallel_loop3A_53 = arith.constant 128 : i32
          %parallel_loop3A_54 = arith.muli %parallel_loop3A_48, %parallel_loop3A_53 : i32
          %parallel_loop3A_55 = arith.constant 0 : i32
          %parallel_loop3A_56 = arith.addi %parallel_loop3A_54, %parallel_loop3A_55 : i32
          %parallel_loop3A_57 = arith.index_cast %parallel_loop3A_56 : i32 to index
          %parallel_loop3A_58 = tpu.vector_load %arg4[%parallel_loop3A_57] {strides = array<i32>} : memref<3200xi32, #tpu.memory_space<vmem>>, vector<16xi32>,
          %parallel_loop3A_59 = arith.constant 6 : i32
          %parallel_loop3A_60 = vector.broadcast %parallel_loop3A_59 : i32 to vector<16xi32>
          %parallel_loop3A_61 = arith.cmpi eq, %parallel_loop3A_58, %parallel_loop3A_60 : vector<16xi32>
          %parallel_loop3A_62 = arith.select %parallel_loop3A_61, %parallel_loop3A_50, %parallel_loop3A_52 : vector<16xi1>, vector<16xf32>
          %parallel_loop3A_63 = arith.constant 7 : i32
          %parallel_loop3A_64 = vector.broadcast %parallel_loop3A_63 : i32 to vector<16xi32>
          %parallel_loop3A_65 = arith.cmpi eq, %parallel_loop3A_58, %parallel_loop3A_64 : vector<16xi32>
          %parallel_loop3A_66 = arith.select %parallel_loop3A_65, %parallel_loop3A_50, %parallel_loop3A_52 : vector<16xi1>, vector<16xf32>
          %parallel_loop3A_67 = arith.constant 8 : i32
          %parallel_loop3A_68 = vector.broadcast %parallel_loop3A_67 : i32 to vector<16xi32>
          %parallel_loop3A_69 = arith.cmpi eq, %parallel_loop3A_58, %parallel_loop3A_68 : vector<16xi32>
          %parallel_loop3A_70 = arith.select %parallel_loop3A_69, %parallel_loop3A_50, %parallel_loop3A_52 : vector<16xi1>, vector<16xf32>
          %parallel_loop3A_71 = arith.constant 15 : i32
          %parallel_loop3A_72 = vector.broadcast %parallel_loop3A_71 : i32 to vector<16xi32>
          %parallel_loop3A_73 = arith.cmpi eq, %parallel_loop3A_58, %parallel_loop3A_72 : vector<16xi32>
          %parallel_loop3A_74 = arith.select %parallel_loop3A_73, %parallel_loop3A_50, %parallel_loop3A_52 : vector<16xi1>, vector<16xf32>
          %parallel_loop3A_75 = arith.constant 16 : i32
          %parallel_loop3A_76 = vector.broadcast %parallel_loop3A_75 : i32 to vector<16xi32>
          %parallel_loop3A_77 = arith.cmpi eq, %parallel_loop3A_58, %parallel_loop3A_76 : vector<16xi32>
          %parallel_loop3A_78 = arith.select %parallel_loop3A_77, %parallel_loop3A_50, %parallel_loop3A_52 : vector<16xi1>, vector<16xf32>
          %parallel_loop3A_79 = arith.addf %parallel_loop3A_62, %parallel_loop3A_66 : vector<16xf32>
          %parallel_loop3A_80 = arith.addf %parallel_loop3A_79, %parallel_loop3A_70 : vector<16xf32>
          %parallel_loop3A_81 = arith.addf %parallel_loop3A_80, %parallel_loop3A_74 : vector<16xf32>
          %parallel_loop3A_82 = arith.addf %parallel_loop3A_81, %parallel_loop3A_78 : vector<16xf32>
          %parallel_loop3A_83 = arith.subf %parallel_loop3A_50, %parallel_loop3A_82 : vector<16xf32>
          %parallel_loop3A_84 = arith.constant 0 : i32
          %parallel_loop3A_85 = arith.index_cast %parallel_loop3A_48 : i32 to index
          %parallel_loop3A_86 = arith.index_cast %parallel_loop3A_84 : i32 to index
          %parallel_loop3A_87 = arith.constant 0 : index
          %parallel_loop3A_88 = tpu.vector_load %arg5[%parallel_loop3A_85, %parallel_loop3A_86, %parallel_loop3A_87] {strides = array<i32>} : memref<25x8x128xf32, #tpu.memory_space<vmem>>, vector<16xf32>,
          tpu.vector_store %arg5[%parallel_loop3A_85, %parallel_loop3A_86, %parallel_loop3A_87], %parallel_loop3A_62 {strides = array<i32>} : memref<25x8x128xf32, #tpu.memory_space<vmem>>, vector<16xf32>,
          %parallel_loop3A_89 = arith.constant 1 : i32
          %parallel_loop3A_90 = arith.index_cast %parallel_loop3A_48 : i32 to index
          %parallel_loop3A_91 = arith.index_cast %parallel_loop3A_89 : i32 to index
          %parallel_loop3A_92 = arith.constant 0 : index
          %parallel_loop3A_93 = tpu.vector_load %arg5[%parallel_loop3A_90, %parallel_loop3A_91, %parallel_loop3A_92] {strides = array<i32>} : memref<25x8x128xf32, #tpu.memory_space<vmem>>, vector<16xf32>,
          tpu.vector_store %arg5[%parallel_loop3A_90, %parallel_loop3A_91, %parallel_loop3A_92], %parallel_loop3A_66 {strides = array<i32>} : memref<25x8x128xf32, #tpu.memory_space<vmem>>, vector<16xf32>,
          %parallel_loop3A_94 = arith.constant 2 : i32
          %parallel_loop3A_95 = arith.index_cast %parallel_loop3A_48 : i32 to index
          %parallel_loop3A_96 = arith.index_cast %parallel_loop3A_94 : i32 to index
          %parallel_loop3A_97 = arith.constant 0 : index
          %parallel_loop3A_98 = tpu.vector_load %arg5[%parallel_loop3A_95, %parallel_loop3A_96, %parallel_loop3A_97] {strides = array<i32>} : memref<25x8x128xf32, #tpu.memory_space<vmem>>, vector<16xf32>,
          tpu.vector_store %arg5[%parallel_loop3A_95, %parallel_loop3A_96, %parallel_loop3A_97], %parallel_loop3A_70 {strides = array<i32>} : memref<25x8x128xf32, #tpu.memory_space<vmem>>, vector<16xf32>,
          %parallel_loop3A_99 = arith.constant 3 : i32
          %parallel_loop3A_100 = arith.index_cast %parallel_loop3A_48 : i32 to index
          %parallel_loop3A_101 = arith.index_cast %parallel_loop3A_99 : i32 to index
          %parallel_loop3A_102 = arith.constant 0 : index
          %parallel_loop3A_103 = tpu.vector_load %arg5[%parallel_loop3A_100, %parallel_loop3A_101, %parallel_loop3A_102] {strides = array<i32>} : memref<25x8x128xf32, #tpu.memory_space<vmem>>, vector<16xf32>,
          tpu.vector_store %arg5[%parallel_loop3A_100, %parallel_loop3A_101, %parallel_loop3A_102], %parallel_loop3A_74 {strides = array<i32>} : memref<25x8x128xf32, #tpu.memory_space<vmem>>, vector<16xf32>,
          %parallel_loop3A_104 = arith.constant 4 : i32
          %parallel_loop3A_105 = arith.index_cast %parallel_loop3A_48 : i32 to index
          %parallel_loop3A_106 = arith.index_cast %parallel_loop3A_104 : i32 to index
          %parallel_loop3A_107 = arith.constant 0 : index
          %parallel_loop3A_108 = tpu.vector_load %arg5[%parallel_loop3A_105, %parallel_loop3A_106, %parallel_loop3A_107] {strides = array<i32>} : memref<25x8x128xf32, #tpu.memory_space<vmem>>, vector<16xf32>,
          tpu.vector_store %arg5[%parallel_loop3A_105, %parallel_loop3A_106, %parallel_loop3A_107], %parallel_loop3A_78 {strides = array<i32>} : memref<25x8x128xf32, #tpu.memory_space<vmem>>, vector<16xf32>,
          %parallel_loop3A_109 = arith.constant 5 : i32
          %parallel_loop3A_110 = arith.index_cast %parallel_loop3A_48 : i32 to index
          %parallel_loop3A_111 = arith.index_cast %parallel_loop3A_109 : i32 to index
          %parallel_loop3A_112 = arith.constant 0 : index
          %parallel_loop3A_113 = tpu.vector_load %arg5[%parallel_loop3A_110, %parallel_loop3A_111, %parallel_loop3A_112] {strides = array<i32>} : memref<25x8x128xf32, #tpu.memory_space<vmem>>, vector<16xf32>,
          tpu.vector_store %arg5[%parallel_loop3A_110, %parallel_loop3A_111, %parallel_loop3A_112], %parallel_loop3A_83 {strides = array<i32>} : memref<25x8x128xf32, #tpu.memory_space<vmem>>, vector<16xf32>,
          %parallel_loop3A_114 = arith.constant 128 : i32
          %parallel_loop3A_115 = arith.muli %parallel_loop3A_48, %parallel_loop3A_114 : i32
          %parallel_loop3A_116 = arith.constant 16 : i32
          %parallel_loop3A_117 = arith.addi %parallel_loop3A_115, %parallel_loop3A_116 : i32
          %parallel_loop3A_118 = arith.index_cast %parallel_loop3A_117 : i32 to index
          %parallel_loop3A_119 = tpu.vector_load %arg4[%parallel_loop3A_118] {strides = array<i32>} : memref<3200xi32, #tpu.memory_space<vmem>>, vector<16xi32>,
          %parallel_loop3A_120 = arith.constant 6 : i32
          %parallel_loop3A_121 = vector.broadcast %parallel_loop3A_120 : i32 to vector<16xi32>
          %parallel_loop3A_122 = arith.cmpi eq, %parallel_loop3A_119, %parallel_loop3A_121 : vector<16xi32>
          %parallel_loop3A_123 = arith.select %parallel_loop3A_122, %parallel_loop3A_50, %parallel_loop3A_52 : vector<16xi1>, vector<16xf32>
          %parallel_loop3A_124 = arith.constant 7 : i32
          %parallel_loop3A_125 = vector.broadcast %parallel_loop3A_124 : i32 to vector<16xi32>
          %parallel_loop3A_126 = arith.cmpi eq, %parallel_loop3A_119, %parallel_loop3A_125 : vector<16xi32>
          %parallel_loop3A_127 = arith.select %parallel_loop3A_126, %parallel_loop3A_50, %parallel_loop3A_52 : vector<16xi1>, vector<16xf32>
          %parallel_loop3A_128 = arith.constant 8 : i32
          %parallel_loop3A_129 = vector.broadcast %parallel_loop3A_128 : i32 to vector<16xi32>
          %parallel_loop3A_130 = arith.cmpi eq, %parallel_loop3A_119, %parallel_loop3A_129 : vector<16xi32>
          %parallel_loop3A_131 = arith.select %parallel_loop3A_130, %parallel_loop3A_50, %parallel_loop3A_52 : vector<16xi1>, vector<16xf32>
          %parallel_loop3A_132 = arith.constant 15 : i32
          %parallel_loop3A_133 = vector.broadcast %parallel_loop3A_132 : i32 to vector<16xi32>
          %parallel_loop3A_134 = arith.cmpi eq, %parallel_loop3A_119, %parallel_loop3A_133 : vector<16xi32>
          %parallel_loop3A_135 = arith.select %parallel_loop3A_134, %parallel_loop3A_50, %parallel_loop3A_52 : vector<16xi1>, vector<16xf32>
          %parallel_loop3A_136 = arith.constant 16 : i32
          %parallel_loop3A_137 = vector.broadcast %parallel_loop3A_136 : i32 to vector<16xi32>
          %parallel_loop3A_138 = arith.cmpi eq, %parallel_loop3A_119, %parallel_loop3A_137 : vector<16xi32>
          %parallel_loop3A_139 = arith.select %parallel_loop3A_138, %parallel_loop3A_50, %parallel_loop3A_52 : vector<16xi1>, vector<16xf32>
          %parallel_loop3A_140 = arith.addf %parallel_loop3A_123, %parallel_loop3A_127 : vector<16xf32>
          %parallel_loop3A_141 = arith.addf %parallel_loop3A_140, %parallel_loop3A_131 : vector<16xf32>
          %parallel_loop3A_142 = arith.addf %parallel_loop3A_141, %parallel_loop3A_135 : vector<16xf32>
          %parallel_loop3A_143 = arith.addf %parallel_loop3A_142, %parallel_loop3A_139 : vector<16xf32>
          %parallel_loop3A_144 = arith.subf %parallel_loop3A_50, %parallel_loop3A_143 : vector<16xf32>
          %parallel_loop3A_145 = arith.constant 0 : i32
          %parallel_loop3A_146 = arith.index_cast %parallel_loop3A_48 : i32 to index
          %parallel_loop3A_147 = arith.index_cast %parallel_loop3A_145 : i32 to index
          %parallel_loop3A_148 = arith.constant 16 : index
          %parallel_loop3A_149 = tpu.vector_load %arg5[%parallel_loop3A_146, %parallel_loop3A_147, %parallel_loop3A_148] {strides = array<i32>} : memref<25x8x128xf32, #tpu.memory_space<vmem>>, vector<16xf32>,
          tpu.vector_store %arg5[%parallel_loop3A_146, %parallel_loop3A_147, %parallel_loop3A_148], %parallel_loop3A_123 {strides = array<i32>} : memref<25x8x128xf32, #tpu.memory_space<vmem>>, vector<16xf32>,
          %parallel_loop3A_150 = arith.constant 1 : i32
          %parallel_loop3A_151 = arith.index_cast %parallel_loop3A_48 : i32 to index
          %parallel_loop3A_152 = arith.index_cast %parallel_loop3A_150 : i32 to index
          %parallel_loop3A_153 = arith.constant 16 : index
          %parallel_loop3A_154 = tpu.vector_load %arg5[%parallel_loop3A_151, %parallel_loop3A_152, %parallel_loop3A_153] {strides = array<i32>} : memref<25x8x128xf32, #tpu.memory_space<vmem>>, vector<16xf32>,
          tpu.vector_store %arg5[%parallel_loop3A_151, %parallel_loop3A_152, %parallel_loop3A_153], %parallel_loop3A_127 {strides = array<i32>} : memref<25x8x128xf32, #tpu.memory_space<vmem>>, vector<16xf32>,
          %parallel_loop3A_155 = arith.constant 2 : i32
          %parallel_loop3A_156 = arith.index_cast %parallel_loop3A_48 : i32 to index
          %parallel_loop3A_157 = arith.index_cast %parallel_loop3A_155 : i32 to index
          %parallel_loop3A_158 = arith.constant 16 : index
          %parallel_loop3A_159 = tpu.vector_load %arg5[%parallel_loop3A_156, %parallel_loop3A_157, %parallel_loop3A_158] {strides = array<i32>} : memref<25x8x128xf32, #tpu.memory_space<vmem>>, vector<16xf32>,
          tpu.vector_store %arg5[%parallel_loop3A_156, %parallel_loop3A_157, %parallel_loop3A_158], %parallel_loop3A_131 {strides = array<i32>} : memref<25x8x128xf32, #tpu.memory_space<vmem>>, vector<16xf32>,
          %parallel_loop3A_160 = arith.constant 3 : i32
          %parallel_loop3A_161 = arith.index_cast %parallel_loop3A_48 : i32 to index
          %parallel_loop3A_162 = arith.index_cast %parallel_loop3A_160 : i32 to index
          %parallel_loop3A_163 = arith.constant 16 : index
          %parallel_loop3A_164 = tpu.vector_load %arg5[%parallel_loop3A_161, %parallel_loop3A_162, %parallel_loop3A_163] {strides = array<i32>} : memref<25x8x128xf32, #tpu.memory_space<vmem>>, vector<16xf32>,
          tpu.vector_store %arg5[%parallel_loop3A_161, %parallel_loop3A_162, %parallel_loop3A_163], %parallel_loop3A_135 {strides = array<i32>} : memref<25x8x128xf32, #tpu.memory_space<vmem>>, vector<16xf32>,
          %parallel_loop3A_165 = arith.constant 4 : i32
          %parallel_loop3A_166 = arith.index_cast %parallel_loop3A_48 : i32 to index
          %parallel_loop3A_167 = arith.index_cast %parallel_loop3A_165 : i32 to index
          %parallel_loop3A_168 = arith.constant 16 : index
          %parallel_loop3A_169 = tpu.vector_load %arg5[%parallel_loop3A_166, %parallel_loop3A_167, %parallel_loop3A_168] {strides = array<i32>} : memref<25x8x128xf32, #tpu.memory_space<vmem>>, vector<16xf32>,
          tpu.vector_store %arg5[%parallel_loop3A_166, %parallel_loop3A_167, %parallel_loop3A_168], %parallel_loop3A_139 {strides = array<i32>} : memref<25x8x128xf32, #tpu.memory_space<vmem>>, vector<16xf32>,
          %parallel_loop3A_170 = arith.constant 5 : i32
          %parallel_loop3A_171 = arith.index_cast %parallel_loop3A_48 : i32 to index
          %parallel_loop3A_172 = arith.index_cast %parallel_loop3A_170 : i32 to index
          %parallel_loop3A_173 = arith.constant 16 : index
          %parallel_loop3A_174 = tpu.vector_load %arg5[%parallel_loop3A_171, %parallel_loop3A_172, %parallel_loop3A_173] {strides = array<i32>} : memref<25x8x128xf32, #tpu.memory_space<vmem>>, vector<16xf32>,
          tpu.vector_store %arg5[%parallel_loop3A_171, %parallel_loop3A_172, %parallel_loop3A_173], %parallel_loop3A_144 {strides = array<i32>} : memref<25x8x128xf32, #tpu.memory_space<vmem>>, vector<16xf32>,
          %parallel_loop3A_175 = arith.constant 128 : i32
          %parallel_loop3A_176 = arith.muli %parallel_loop3A_48, %parallel_loop3A_175 : i32
          %parallel_loop3A_177 = arith.constant 32 : i32
          %parallel_loop3A_178 = arith.addi %parallel_loop3A_176, %parallel_loop3A_177 : i32
          %parallel_loop3A_179 = arith.index_cast %parallel_loop3A_178 : i32 to index
          %parallel_loop3A_180 = tpu.vector_load %arg4[%parallel_loop3A_179] {strides = array<i32>} : memref<3200xi32, #tpu.memory_space<vmem>>, vector<16xi32>,
          %parallel_loop3A_181 = arith.constant 6 : i32
          %parallel_loop3A_182 = vector.broadcast %parallel_loop3A_181 : i32 to vector<16xi32>
          %parallel_loop3A_183 = arith.cmpi eq, %parallel_loop3A_180, %parallel_loop3A_182 : vector<16xi32>
          %parallel_loop3A_184 = arith.select %parallel_loop3A_183, %parallel_loop3A_50, %parallel_loop3A_52 : vector<16xi1>, vector<16xf32>
          %parallel_loop3A_185 = arith.constant 7 : i32
          %parallel_loop3A_186 = vector.broadcast %parallel_loop3A_185 : i32 to vector<16xi32>
          %parallel_loop3A_187 = arith.cmpi eq, %parallel_loop3A_180, %parallel_loop3A_186 : vector<16xi32>
          %parallel_loop3A_188 = arith.select %parallel_loop3A_187, %parallel_loop3A_50, %parallel_loop3A_52 : vector<16xi1>, vector<16xf32>
          %parallel_loop3A_189 = arith.constant 8 : i32
          %parallel_loop3A_190 = vector.broadcast %parallel_loop3A_189 : i32 to vector<16xi32>
          %parallel_loop3A_191 = arith.cmpi eq, %parallel_loop3A_180, %parallel_loop3A_190 : vector<16xi32>
          %parallel_loop3A_192 = arith.select %parallel_loop3A_191, %parallel_loop3A_50, %parallel_loop3A_52 : vector<16xi1>, vector<16xf32>
          %parallel_loop3A_193 = arith.constant 15 : i32
          %parallel_loop3A_194 = vector.broadcast %parallel_loop3A_193 : i32 to vector<16xi32>
          %parallel_loop3A_195 = arith.cmpi eq, %parallel_loop3A_180, %parallel_loop3A_194 : vector<16xi32>
          %parallel_loop3A_196 = arith.select %parallel_loop3A_195, %parallel_loop3A_50, %parallel_loop3A_52 : vector<16xi1>, vector<16xf32>
          %parallel_loop3A_197 = arith.constant 16 : i32
          %parallel_loop3A_198 = vector.broadcast %parallel_loop3A_197 : i32 to vector<16xi32>
          %parallel_loop3A_199 = arith.cmpi eq, %parallel_loop3A_180, %parallel_loop3A_198 : vector<16xi32>
          %parallel_loop3A_200 = arith.select %parallel_loop3A_199, %parallel_loop3A_50, %parallel_loop3A_52 : vector<16xi1>, vector<16xf32>
          %parallel_loop3A_201 = arith.addf %parallel_loop3A_184, %parallel_loop3A_188 : vector<16xf32>
          %parallel_loop3A_202 = arith.addf %parallel_loop3A_201, %parallel_loop3A_192 : vector<16xf32>
          %parallel_loop3A_203 = arith.addf %parallel_loop3A_202, %parallel_loop3A_196 : vector<16xf32>
          %parallel_loop3A_204 = arith.addf %parallel_loop3A_203, %parallel_loop3A_200 : vector<16xf32>
          %parallel_loop3A_205 = arith.subf %parallel_loop3A_50, %parallel_loop3A_204 : vector<16xf32>
          %parallel_loop3A_206 = arith.constant 0 : i32
          %parallel_loop3A_207 = arith.index_cast %parallel_loop3A_48 : i32 to index
          %parallel_loop3A_208 = arith.index_cast %parallel_loop3A_206 : i32 to index
          %parallel_loop3A_209 = arith.constant 32 : index
          %parallel_loop3A_210 = tpu.vector_load %arg5[%parallel_loop3A_207, %parallel_loop3A_208, %parallel_loop3A_209] {strides = array<i32>} : memref<25x8x128xf32, #tpu.memory_space<vmem>>, vector<16xf32>,
          tpu.vector_store %arg5[%parallel_loop3A_207, %parallel_loop3A_208, %parallel_loop3A_209], %parallel_loop3A_184 {strides = array<i32>} : memref<25x8x128xf32, #tpu.memory_space<vmem>>, vector<16xf32>,
          %parallel_loop3A_211 = arith.constant 1 : i32
          %parallel_loop3A_212 = arith.index_cast %parallel_loop3A_48 : i32 to index
          %parallel_loop3A_213 = arith.index_cast %parallel_loop3A_211 : i32 to index
          %parallel_loop3A_214 = arith.constant 32 : index
          %parallel_loop3A_215 = tpu.vector_load %arg5[%parallel_loop3A_212, %parallel_loop3A_213, %parallel_loop3A_214] {strides = array<i32>} : memref<25x8x128xf32, #tpu.memory_space<vmem>>, vector<16xf32>,
          tpu.vector_store %arg5[%parallel_loop3A_212, %parallel_loop3A_213, %parallel_loop3A_214], %parallel_loop3A_188 {strides = array<i32>} : memref<25x8x128xf32, #tpu.memory_space<vmem>>, vector<16xf32>,
          %parallel_loop3A_216 = arith.constant 2 : i32
          %parallel_loop3A_217 = arith.index_cast %parallel_loop3A_48 : i32 to index
          %parallel_loop3A_218 = arith.index_cast %parallel_loop3A_216 : i32 to index
          %parallel_loop3A_219 = arith.constant 32 : index
          %parallel_loop3A_220 = tpu.vector_load %arg5[%parallel_loop3A_217, %parallel_loop3A_218, %parallel_loop3A_219] {strides = array<i32>} : memref<25x8x128xf32, #tpu.memory_space<vmem>>, vector<16xf32>,
          tpu.vector_store %arg5[%parallel_loop3A_217, %parallel_loop3A_218, %parallel_loop3A_219], %parallel_loop3A_192 {strides = array<i32>} : memref<25x8x128xf32, #tpu.memory_space<vmem>>, vector<16xf32>,
          %parallel_loop3A_221 = arith.constant 3 : i32
          %parallel_loop3A_222 = arith.index_cast %parallel_loop3A_48 : i32 to index
          %parallel_loop3A_223 = arith.index_cast %parallel_loop3A_221 : i32 to index
          %parallel_loop3A_224 = arith.constant 32 : index
          %parallel_loop3A_225 = tpu.vector_load %arg5[%parallel_loop3A_222, %parallel_loop3A_223, %parallel_loop3A_224] {strides = array<i32>} : memref<25x8x128xf32, #tpu.memory_space<vmem>>, vector<16xf32>,
          tpu.vector_store %arg5[%parallel_loop3A_222, %parallel_loop3A_223, %parallel_loop3A_224], %parallel_loop3A_196 {strides = array<i32>} : memref<25x8x128xf32, #tpu.memory_space<vmem>>, vector<16xf32>,
          %parallel_loop3A_226 = arith.constant 4 : i32
          %parallel_loop3A_227 = arith.index_cast %parallel_loop3A_48 : i32 to index
          %parallel_loop3A_228 = arith.index_cast %parallel_loop3A_226 : i32 to index
          %parallel_loop3A_229 = arith.constant 32 : index
          %parallel_loop3A_230 = tpu.vector_load %arg5[%parallel_loop3A_227, %parallel_loop3A_228, %parallel_loop3A_229] {strides = array<i32>} : memref<25x8x128xf32, #tpu.memory_space<vmem>>, vector<16xf32>,
          tpu.vector_store %arg5[%parallel_loop3A_227, %parallel_loop3A_228, %parallel_loop3A_229], %parallel_loop3A_200 {strides = array<i32>} : memref<25x8x128xf32, #tpu.memory_space<vmem>>, vector<16xf32>,
          %parallel_loop3A_231 = arith.constant 5 : i32
          %parallel_loop3A_232 = arith.index_cast %parallel_loop3A_48 : i32 to index
          %parallel_loop3A_233 = arith.index_cast %parallel_loop3A_231 : i32 to index
          %parallel_loop3A_234 = arith.constant 32 : index
          %parallel_loop3A_235 = tpu.vector_load %arg5[%parallel_loop3A_232, %parallel_loop3A_233, %parallel_loop3A_234] {strides = array<i32>} : memref<25x8x128xf32, #tpu.memory_space<vmem>>, vector<16xf32>,
          tpu.vector_store %arg5[%parallel_loop3A_232, %parallel_loop3A_233, %parallel_loop3A_234], %parallel_loop3A_205 {strides = array<i32>} : memref<25x8x128xf32, #tpu.memory_space<vmem>>, vector<16xf32>,
          %parallel_loop3A_236 = arith.constant 128 : i32
          %parallel_loop3A_237 = arith.muli %parallel_loop3A_48, %parallel_loop3A_236 : i32
          %parallel_loop3A_238 = arith.constant 48 : i32
          %parallel_loop3A_239 = arith.addi %parallel_loop3A_237, %parallel_loop3A_238 : i32
          %parallel_loop3A_240 = arith.index_cast %parallel_loop3A_239 : i32 to index
          %parallel_loop3A_241 = tpu.vector_load %arg4[%parallel_loop3A_240] {strides = array<i32>} : memref<3200xi32, #tpu.memory_space<vmem>>, vector<16xi32>,
          %parallel_loop3A_242 = arith.constant 6 : i32
          %parallel_loop3A_243 = vector.broadcast %parallel_loop3A_242 : i32 to vector<16xi32>
          %parallel_loop3A_244 = arith.cmpi eq, %parallel_loop3A_241, %parallel_loop3A_243 : vector<16xi32>
          %parallel_loop3A_245 = arith.select %parallel_loop3A_244, %parallel_loop3A_50, %parallel_loop3A_52 : vector<16xi1>, vector<16xf32>
          %parallel_loop3A_246 = arith.constant 7 : i32
          %parallel_loop3A_247 = vector.broadcast %parallel_loop3A_246 : i32 to vector<16xi32>
          %parallel_loop3A_248 = arith.cmpi eq, %parallel_loop3A_241, %parallel_loop3A_247 : vector<16xi32>
          %parallel_loop3A_249 = arith.select %parallel_loop3A_248, %parallel_loop3A_50, %parallel_loop3A_52 : vector<16xi1>, vector<16xf32>
          %parallel_loop3A_250 = arith.constant 8 : i32
          %parallel_loop3A_251 = vector.broadcast %parallel_loop3A_250 : i32 to vector<16xi32>
          %parallel_loop3A_252 = arith.cmpi eq, %parallel_loop3A_241, %parallel_loop3A_251 : vector<16xi32>
          %parallel_loop3A_253 = arith.select %parallel_loop3A_252, %parallel_loop3A_50, %parallel_loop3A_52 : vector<16xi1>, vector<16xf32>
          %parallel_loop3A_254 = arith.constant 15 : i32
          %parallel_loop3A_255 = vector.broadcast %parallel_loop3A_254 : i32 to vector<16xi32>
          %parallel_loop3A_256 = arith.cmpi eq, %parallel_loop3A_241, %parallel_loop3A_255 : vector<16xi32>
          %parallel_loop3A_257 = arith.select %parallel_loop3A_256, %parallel_loop3A_50, %parallel_loop3A_52 : vector<16xi1>, vector<16xf32>
          %parallel_loop3A_258 = arith.constant 16 : i32
          %parallel_loop3A_259 = vector.broadcast %parallel_loop3A_258 : i32 to vector<16xi32>
          %parallel_loop3A_260 = arith.cmpi eq, %parallel_loop3A_241, %parallel_loop3A_259 : vector<16xi32>
          %parallel_loop3A_261 = arith.select %parallel_loop3A_260, %parallel_loop3A_50, %parallel_loop3A_52 : vector<16xi1>, vector<16xf32>
          %parallel_loop3A_262 = arith.addf %parallel_loop3A_245, %parallel_loop3A_249 : vector<16xf32>
          %parallel_loop3A_263 = arith.addf %parallel_loop3A_262, %parallel_loop3A_253 : vector<16xf32>
          %parallel_loop3A_264 = arith.addf %parallel_loop3A_263, %parallel_loop3A_257 : vector<16xf32>
          %parallel_loop3A_265 = arith.addf %parallel_loop3A_264, %parallel_loop3A_261 : vector<16xf32>
          %parallel_loop3A_266 = arith.subf %parallel_loop3A_50, %parallel_loop3A_265 : vector<16xf32>
          %parallel_loop3A_267 = arith.constant 0 : i32
          %parallel_loop3A_268 = arith.index_cast %parallel_loop3A_48 : i32 to index
          %parallel_loop3A_269 = arith.index_cast %parallel_loop3A_267 : i32 to index
          %parallel_loop3A_270 = arith.constant 48 : index
          %parallel_loop3A_271 = tpu.vector_load %arg5[%parallel_loop3A_268, %parallel_loop3A_269, %parallel_loop3A_270] {strides = array<i32>} : memref<25x8x128xf32, #tpu.memory_space<vmem>>, vector<16xf32>,
          tpu.vector_store %arg5[%parallel_loop3A_268, %parallel_loop3A_269, %parallel_loop3A_270], %parallel_loop3A_245 {strides = array<i32>} : memref<25x8x128xf32, #tpu.memory_space<vmem>>, vector<16xf32>,
          %parallel_loop3A_272 = arith.constant 1 : i32
          %parallel_loop3A_273 = arith.index_cast %parallel_loop3A_48 : i32 to index
          %parallel_loop3A_274 = arith.index_cast %parallel_loop3A_272 : i32 to index
          %parallel_loop3A_275 = arith.constant 48 : index
          %parallel_loop3A_276 = tpu.vector_load %arg5[%parallel_loop3A_273, %parallel_loop3A_274, %parallel_loop3A_275] {strides = array<i32>} : memref<25x8x128xf32, #tpu.memory_space<vmem>>, vector<16xf32>,
          tpu.vector_store %arg5[%parallel_loop3A_273, %parallel_loop3A_274, %parallel_loop3A_275], %parallel_loop3A_249 {strides = array<i32>} : memref<25x8x128xf32, #tpu.memory_space<vmem>>, vector<16xf32>,
          %parallel_loop3A_277 = arith.constant 2 : i32
          %parallel_loop3A_278 = arith.index_cast %parallel_loop3A_48 : i32 to index
          %parallel_loop3A_279 = arith.index_cast %parallel_loop3A_277 : i32 to index
          %parallel_loop3A_280 = arith.constant 48 : index
          %parallel_loop3A_281 = tpu.vector_load %arg5[%parallel_loop3A_278, %parallel_loop3A_279, %parallel_loop3A_280] {strides = array<i32>} : memref<25x8x128xf32, #tpu.memory_space<vmem>>, vector<16xf32>,
          tpu.vector_store %arg5[%parallel_loop3A_278, %parallel_loop3A_279, %parallel_loop3A_280], %parallel_loop3A_253 {strides = array<i32>} : memref<25x8x128xf32, #tpu.memory_space<vmem>>, vector<16xf32>,
          %parallel_loop3A_282 = arith.constant 3 : i32
          %parallel_loop3A_283 = arith.index_cast %parallel_loop3A_48 : i32 to index
          %parallel_loop3A_284 = arith.index_cast %parallel_loop3A_282 : i32 to index
          %parallel_loop3A_285 = arith.constant 48 : index
          %parallel_loop3A_286 = tpu.vector_load %arg5[%parallel_loop3A_283, %parallel_loop3A_284, %parallel_loop3A_285] {strides = array<i32>} : memref<25x8x128xf32, #tpu.memory_space<vmem>>, vector<16xf32>,
          tpu.vector_store %arg5[%parallel_loop3A_283, %parallel_loop3A_284, %parallel_loop3A_285], %parallel_loop3A_257 {strides = array<i32>} : memref<25x8x128xf32, #tpu.memory_space<vmem>>, vector<16xf32>,
          %parallel_loop3A_287 = arith.constant 4 : i32
          %parallel_loop3A_288 = arith.index_cast %parallel_loop3A_48 : i32 to index
          %parallel_loop3A_289 = arith.index_cast %parallel_loop3A_287 : i32 to index
          %parallel_loop3A_290 = arith.constant 48 : index
          %parallel_loop3A_291 = tpu.vector_load %arg5[%parallel_loop3A_288, %parallel_loop3A_289, %parallel_loop3A_290] {strides = array<i32>} : memref<25x8x128xf32, #tpu.memory_space<vmem>>, vector<16xf32>,
          tpu.vector_store %arg5[%parallel_loop3A_288, %parallel_loop3A_289, %parallel_loop3A_290], %parallel_loop3A_261 {strides = array<i32>} : memref<25x8x128xf32, #tpu.memory_space<vmem>>, vector<16xf32>,
          %parallel_loop3A_292 = arith.constant 5 : i32
          %parallel_loop3A_293 = arith.index_cast %parallel_loop3A_48 : i32 to index
          %parallel_loop3A_294 = arith.index_cast %parallel_loop3A_292 : i32 to index
          %parallel_loop3A_295 = arith.constant 48 : index
          %parallel_loop3A_296 = tpu.vector_load %arg5[%parallel_loop3A_293, %parallel_loop3A_294, %parallel_loop3A_295] {strides = array<i32>} : memref<25x8x128xf32, #tpu.memory_space<vmem>>, vector<16xf32>,
          tpu.vector_store %arg5[%parallel_loop3A_293, %parallel_loop3A_294, %parallel_loop3A_295], %parallel_loop3A_266 {strides = array<i32>} : memref<25x8x128xf32, #tpu.memory_space<vmem>>, vector<16xf32>,
          %parallel_loop3A_297 = arith.constant 128 : i32
          %parallel_loop3A_298 = arith.muli %parallel_loop3A_48, %parallel_loop3A_297 : i32
          %parallel_loop3A_299 = arith.constant 64 : i32
          %parallel_loop3A_300 = arith.addi %parallel_loop3A_298, %parallel_loop3A_299 : i32
          %parallel_loop3A_301 = arith.index_cast %parallel_loop3A_300 : i32 to index
          %parallel_loop3A_302 = tpu.vector_load %arg4[%parallel_loop3A_301] {strides = array<i32>} : memref<3200xi32, #tpu.memory_space<vmem>>, vector<16xi32>,
          %parallel_loop3A_303 = arith.constant 6 : i32
          %parallel_loop3A_304 = vector.broadcast %parallel_loop3A_303 : i32 to vector<16xi32>
          %parallel_loop3A_305 = arith.cmpi eq, %parallel_loop3A_302, %parallel_loop3A_304 : vector<16xi32>
          %parallel_loop3A_306 = arith.select %parallel_loop3A_305, %parallel_loop3A_50, %parallel_loop3A_52 : vector<16xi1>, vector<16xf32>
          %parallel_loop3A_307 = arith.constant 7 : i32
          %parallel_loop3A_308 = vector.broadcast %parallel_loop3A_307 : i32 to vector<16xi32>
          %parallel_loop3A_309 = arith.cmpi eq, %parallel_loop3A_302, %parallel_loop3A_308 : vector<16xi32>
          %parallel_loop3A_310 = arith.select %parallel_loop3A_309, %parallel_loop3A_50, %parallel_loop3A_52 : vector<16xi1>, vector<16xf32>
          %parallel_loop3A_311 = arith.constant 8 : i32
          %parallel_loop3A_312 = vector.broadcast %parallel_loop3A_311 : i32 to vector<16xi32>
          %parallel_loop3A_313 = arith.cmpi eq, %parallel_loop3A_302, %parallel_loop3A_312 : vector<16xi32>
          %parallel_loop3A_314 = arith.select %parallel_loop3A_313, %parallel_loop3A_50, %parallel_loop3A_52 : vector<16xi1>, vector<16xf32>
          %parallel_loop3A_315 = arith.constant 15 : i32
          %parallel_loop3A_316 = vector.broadcast %parallel_loop3A_315 : i32 to vector<16xi32>
          %parallel_loop3A_317 = arith.cmpi eq, %parallel_loop3A_302, %parallel_loop3A_316 : vector<16xi32>
          %parallel_loop3A_318 = arith.select %parallel_loop3A_317, %parallel_loop3A_50, %parallel_loop3A_52 : vector<16xi1>, vector<16xf32>
          %parallel_loop3A_319 = arith.constant 16 : i32
          %parallel_loop3A_320 = vector.broadcast %parallel_loop3A_319 : i32 to vector<16xi32>
          %parallel_loop3A_321 = arith.cmpi eq, %parallel_loop3A_302, %parallel_loop3A_320 : vector<16xi32>
          %parallel_loop3A_322 = arith.select %parallel_loop3A_321, %parallel_loop3A_50, %parallel_loop3A_52 : vector<16xi1>, vector<16xf32>
          %parallel_loop3A_323 = arith.addf %parallel_loop3A_306, %parallel_loop3A_310 : vector<16xf32>
          %parallel_loop3A_324 = arith.addf %parallel_loop3A_323, %parallel_loop3A_314 : vector<16xf32>
          %parallel_loop3A_325 = arith.addf %parallel_loop3A_324, %parallel_loop3A_318 : vector<16xf32>
          %parallel_loop3A_326 = arith.addf %parallel_loop3A_325, %parallel_loop3A_322 : vector<16xf32>
          %parallel_loop3A_327 = arith.subf %parallel_loop3A_50, %parallel_loop3A_326 : vector<16xf32>
          %parallel_loop3A_328 = arith.constant 0 : i32
          %parallel_loop3A_329 = arith.index_cast %parallel_loop3A_48 : i32 to index
          %parallel_loop3A_330 = arith.index_cast %parallel_loop3A_328 : i32 to index
          %parallel_loop3A_331 = arith.constant 64 : index
          %parallel_loop3A_332 = tpu.vector_load %arg5[%parallel_loop3A_329, %parallel_loop3A_330, %parallel_loop3A_331] {strides = array<i32>} : memref<25x8x128xf32, #tpu.memory_space<vmem>>, vector<16xf32>,
          tpu.vector_store %arg5[%parallel_loop3A_329, %parallel_loop3A_330, %parallel_loop3A_331], %parallel_loop3A_306 {strides = array<i32>} : memref<25x8x128xf32, #tpu.memory_space<vmem>>, vector<16xf32>,
          %parallel_loop3A_333 = arith.constant 1 : i32
          %parallel_loop3A_334 = arith.index_cast %parallel_loop3A_48 : i32 to index
          %parallel_loop3A_335 = arith.index_cast %parallel_loop3A_333 : i32 to index
          %parallel_loop3A_336 = arith.constant 64 : index
          %parallel_loop3A_337 = tpu.vector_load %arg5[%parallel_loop3A_334, %parallel_loop3A_335, %parallel_loop3A_336] {strides = array<i32>} : memref<25x8x128xf32, #tpu.memory_space<vmem>>, vector<16xf32>,
          tpu.vector_store %arg5[%parallel_loop3A_334, %parallel_loop3A_335, %parallel_loop3A_336], %parallel_loop3A_310 {strides = array<i32>} : memref<25x8x128xf32, #tpu.memory_space<vmem>>, vector<16xf32>,
          %parallel_loop3A_338 = arith.constant 2 : i32
          %parallel_loop3A_339 = arith.index_cast %parallel_loop3A_48 : i32 to index
          %parallel_loop3A_340 = arith.index_cast %parallel_loop3A_338 : i32 to index
          %parallel_loop3A_341 = arith.constant 64 : index
          %parallel_loop3A_342 = tpu.vector_load %arg5[%parallel_loop3A_339, %parallel_loop3A_340, %parallel_loop3A_341] {strides = array<i32>} : memref<25x8x128xf32, #tpu.memory_space<vmem>>, vector<16xf32>,
          tpu.vector_store %arg5[%parallel_loop3A_339, %parallel_loop3A_340, %parallel_loop3A_341], %parallel_loop3A_314 {strides = array<i32>} : memref<25x8x128xf32, #tpu.memory_space<vmem>>, vector<16xf32>,
          %parallel_loop3A_343 = arith.constant 3 : i32
          %parallel_loop3A_344 = arith.index_cast %parallel_loop3A_48 : i32 to index
          %parallel_loop3A_345 = arith.index_cast %parallel_loop3A_343 : i32 to index
          %parallel_loop3A_346 = arith.constant 64 : index
          %parallel_loop3A_347 = tpu.vector_load %arg5[%parallel_loop3A_344, %parallel_loop3A_345, %parallel_loop3A_346] {strides = array<i32>} : memref<25x8x128xf32, #tpu.memory_space<vmem>>, vector<16xf32>,
          tpu.vector_store %arg5[%parallel_loop3A_344, %parallel_loop3A_345, %parallel_loop3A_346], %parallel_loop3A_318 {strides = array<i32>} : memref<25x8x128xf32, #tpu.memory_space<vmem>>, vector<16xf32>,
          %parallel_loop3A_348 = arith.constant 4 : i32
          %parallel_loop3A_349 = arith.index_cast %parallel_loop3A_48 : i32 to index
          %parallel_loop3A_350 = arith.index_cast %parallel_loop3A_348 : i32 to index
          %parallel_loop3A_351 = arith.constant 64 : index
          %parallel_loop3A_352 = tpu.vector_load %arg5[%parallel_loop3A_349, %parallel_loop3A_350, %parallel_loop3A_351] {strides = array<i32>} : memref<25x8x128xf32, #tpu.memory_space<vmem>>, vector<16xf32>,
          tpu.vector_store %arg5[%parallel_loop3A_349, %parallel_loop3A_350, %parallel_loop3A_351], %parallel_loop3A_322 {strides = array<i32>} : memref<25x8x128xf32, #tpu.memory_space<vmem>>, vector<16xf32>,
          %parallel_loop3A_353 = arith.constant 5 : i32
          %parallel_loop3A_354 = arith.index_cast %parallel_loop3A_48 : i32 to index
          %parallel_loop3A_355 = arith.index_cast %parallel_loop3A_353 : i32 to index
          %parallel_loop3A_356 = arith.constant 64 : index
          %parallel_loop3A_357 = tpu.vector_load %arg5[%parallel_loop3A_354, %parallel_loop3A_355, %parallel_loop3A_356] {strides = array<i32>} : memref<25x8x128xf32, #tpu.memory_space<vmem>>, vector<16xf32>,
          tpu.vector_store %arg5[%parallel_loop3A_354, %parallel_loop3A_355, %parallel_loop3A_356], %parallel_loop3A_327 {strides = array<i32>} : memref<25x8x128xf32, #tpu.memory_space<vmem>>, vector<16xf32>,
          %parallel_loop3A_358 = arith.constant 128 : i32
          %parallel_loop3A_359 = arith.muli %parallel_loop3A_48, %parallel_loop3A_358 : i32
          %parallel_loop3A_360 = arith.constant 80 : i32
          %parallel_loop3A_361 = arith.addi %parallel_loop3A_359, %parallel_loop3A_360 : i32
          %parallel_loop3A_362 = arith.index_cast %parallel_loop3A_361 : i32 to index
          %parallel_loop3A_363 = tpu.vector_load %arg4[%parallel_loop3A_362] {strides = array<i32>} : memref<3200xi32, #tpu.memory_space<vmem>>, vector<16xi32>,
          %parallel_loop3A_364 = arith.constant 6 : i32
          %parallel_loop3A_365 = vector.broadcast %parallel_loop3A_364 : i32 to vector<16xi32>
          %parallel_loop3A_366 = arith.cmpi eq, %parallel_loop3A_363, %parallel_loop3A_365 : vector<16xi32>
          %parallel_loop3A_367 = arith.select %parallel_loop3A_366, %parallel_loop3A_50, %parallel_loop3A_52 : vector<16xi1>, vector<16xf32>
          %parallel_loop3A_368 = arith.constant 7 : i32
          %parallel_loop3A_369 = vector.broadcast %parallel_loop3A_368 : i32 to vector<16xi32>
          %parallel_loop3A_370 = arith.cmpi eq, %parallel_loop3A_363, %parallel_loop3A_369 : vector<16xi32>
          %parallel_loop3A_371 = arith.select %parallel_loop3A_370, %parallel_loop3A_50, %parallel_loop3A_52 : vector<16xi1>, vector<16xf32>
          %parallel_loop3A_372 = arith.constant 8 : i32
          %parallel_loop3A_373 = vector.broadcast %parallel_loop3A_372 : i32 to vector<16xi32>
          %parallel_loop3A_374 = arith.cmpi eq, %parallel_loop3A_363, %parallel_loop3A_373 : vector<16xi32>
          %parallel_loop3A_375 = arith.select %parallel_loop3A_374, %parallel_loop3A_50, %parallel_loop3A_52 : vector<16xi1>, vector<16xf32>
          %parallel_loop3A_376 = arith.constant 15 : i32
          %parallel_loop3A_377 = vector.broadcast %parallel_loop3A_376 : i32 to vector<16xi32>
          %parallel_loop3A_378 = arith.cmpi eq, %parallel_loop3A_363, %parallel_loop3A_377 : vector<16xi32>
          %parallel_loop3A_379 = arith.select %parallel_loop3A_378, %parallel_loop3A_50, %parallel_loop3A_52 : vector<16xi1>, vector<16xf32>
          %parallel_loop3A_380 = arith.constant 16 : i32
          %parallel_loop3A_381 = vector.broadcast %parallel_loop3A_380 : i32 to vector<16xi32>
          %parallel_loop3A_382 = arith.cmpi eq, %parallel_loop3A_363, %parallel_loop3A_381 : vector<16xi32>
          %parallel_loop3A_383 = arith.select %parallel_loop3A_382, %parallel_loop3A_50, %parallel_loop3A_52 : vector<16xi1>, vector<16xf32>
          %parallel_loop3A_384 = arith.addf %parallel_loop3A_367, %parallel_loop3A_371 : vector<16xf32>
          %parallel_loop3A_385 = arith.addf %parallel_loop3A_384, %parallel_loop3A_375 : vector<16xf32>
          %parallel_loop3A_386 = arith.addf %parallel_loop3A_385, %parallel_loop3A_379 : vector<16xf32>
          %parallel_loop3A_387 = arith.addf %parallel_loop3A_386, %parallel_loop3A_383 : vector<16xf32>
          %parallel_loop3A_388 = arith.subf %parallel_loop3A_50, %parallel_loop3A_387 : vector<16xf32>
          %parallel_loop3A_389 = arith.constant 0 : i32
          %parallel_loop3A_390 = arith.index_cast %parallel_loop3A_48 : i32 to index
          %parallel_loop3A_391 = arith.index_cast %parallel_loop3A_389 : i32 to index
          %parallel_loop3A_392 = arith.constant 80 : index
          %parallel_loop3A_393 = tpu.vector_load %arg5[%parallel_loop3A_390, %parallel_loop3A_391, %parallel_loop3A_392] {strides = array<i32>} : memref<25x8x128xf32, #tpu.memory_space<vmem>>, vector<16xf32>,
          tpu.vector_store %arg5[%parallel_loop3A_390, %parallel_loop3A_391, %parallel_loop3A_392], %parallel_loop3A_367 {strides = array<i32>} : memref<25x8x128xf32, #tpu.memory_space<vmem>>, vector<16xf32>,
          %parallel_loop3A_394 = arith.constant 1 : i32
          %parallel_loop3A_395 = arith.index_cast %parallel_loop3A_48 : i32 to index
          %parallel_loop3A_396 = arith.index_cast %parallel_loop3A_394 : i32 to index
          %parallel_loop3A_397 = arith.constant 80 : index
          %parallel_loop3A_398 = tpu.vector_load %arg5[%parallel_loop3A_395, %parallel_loop3A_396, %parallel_loop3A_397] {strides = array<i32>} : memref<25x8x128xf32, #tpu.memory_space<vmem>>, vector<16xf32>,
          tpu.vector_store %arg5[%parallel_loop3A_395, %parallel_loop3A_396, %parallel_loop3A_397], %parallel_loop3A_371 {strides = array<i32>} : memref<25x8x128xf32, #tpu.memory_space<vmem>>, vector<16xf32>,
          %parallel_loop3A_399 = arith.constant 2 : i32
          %parallel_loop3A_400 = arith.index_cast %parallel_loop3A_48 : i32 to index
          %parallel_loop3A_401 = arith.index_cast %parallel_loop3A_399 : i32 to index
          %parallel_loop3A_402 = arith.constant 80 : index
          %parallel_loop3A_403 = tpu.vector_load %arg5[%parallel_loop3A_400, %parallel_loop3A_401, %parallel_loop3A_402] {strides = array<i32>} : memref<25x8x128xf32, #tpu.memory_space<vmem>>, vector<16xf32>,
          tpu.vector_store %arg5[%parallel_loop3A_400, %parallel_loop3A_401, %parallel_loop3A_402], %parallel_loop3A_375 {strides = array<i32>} : memref<25x8x128xf32, #tpu.memory_space<vmem>>, vector<16xf32>,
          %parallel_loop3A_404 = arith.constant 3 : i32
          %parallel_loop3A_405 = arith.index_cast %parallel_loop3A_48 : i32 to index
          %parallel_loop3A_406 = arith.index_cast %parallel_loop3A_404 : i32 to index
          %parallel_loop3A_407 = arith.constant 80 : index
          %parallel_loop3A_408 = tpu.vector_load %arg5[%parallel_loop3A_405, %parallel_loop3A_406, %parallel_loop3A_407] {strides = array<i32>} : memref<25x8x128xf32, #tpu.memory_space<vmem>>, vector<16xf32>,
          tpu.vector_store %arg5[%parallel_loop3A_405, %parallel_loop3A_406, %parallel_loop3A_407], %parallel_loop3A_379 {strides = array<i32>} : memref<25x8x128xf32, #tpu.memory_space<vmem>>, vector<16xf32>,
          %parallel_loop3A_409 = arith.constant 4 : i32
          %parallel_loop3A_410 = arith.index_cast %parallel_loop3A_48 : i32 to index
          %parallel_loop3A_411 = arith.index_cast %parallel_loop3A_409 : i32 to index
          %parallel_loop3A_412 = arith.constant 80 : index
          %parallel_loop3A_413 = tpu.vector_load %arg5[%parallel_loop3A_410, %parallel_loop3A_411, %parallel_loop3A_412] {strides = array<i32>} : memref<25x8x128xf32, #tpu.memory_space<vmem>>, vector<16xf32>,
          tpu.vector_store %arg5[%parallel_loop3A_410, %parallel_loop3A_411, %parallel_loop3A_412], %parallel_loop3A_383 {strides = array<i32>} : memref<25x8x128xf32, #tpu.memory_space<vmem>>, vector<16xf32>,
          %parallel_loop3A_414 = arith.constant 5 : i32
          %parallel_loop3A_415 = arith.index_cast %parallel_loop3A_48 : i32 to index
          %parallel_loop3A_416 = arith.index_cast %parallel_loop3A_414 : i32 to index
          %parallel_loop3A_417 = arith.constant 80 : index
          %parallel_loop3A_418 = tpu.vector_load %arg5[%parallel_loop3A_415, %parallel_loop3A_416, %parallel_loop3A_417] {strides = array<i32>} : memref<25x8x128xf32, #tpu.memory_space<vmem>>, vector<16xf32>,
          tpu.vector_store %arg5[%parallel_loop3A_415, %parallel_loop3A_416, %parallel_loop3A_417], %parallel_loop3A_388 {strides = array<i32>} : memref<25x8x128xf32, #tpu.memory_space<vmem>>, vector<16xf32>,
          %parallel_loop3A_419 = arith.constant 128 : i32
          %parallel_loop3A_420 = arith.muli %parallel_loop3A_48, %parallel_loop3A_419 : i32
          %parallel_loop3A_421 = arith.constant 96 : i32
          %parallel_loop3A_422 = arith.addi %parallel_loop3A_420, %parallel_loop3A_421 : i32
          %parallel_loop3A_423 = arith.index_cast %parallel_loop3A_422 : i32 to index
          %parallel_loop3A_424 = tpu.vector_load %arg4[%parallel_loop3A_423] {strides = array<i32>} : memref<3200xi32, #tpu.memory_space<vmem>>, vector<16xi32>,
          %parallel_loop3A_425 = arith.constant 6 : i32
          %parallel_loop3A_426 = vector.broadcast %parallel_loop3A_425 : i32 to vector<16xi32>
          %parallel_loop3A_427 = arith.cmpi eq, %parallel_loop3A_424, %parallel_loop3A_426 : vector<16xi32>
          %parallel_loop3A_428 = arith.select %parallel_loop3A_427, %parallel_loop3A_50, %parallel_loop3A_52 : vector<16xi1>, vector<16xf32>
          %parallel_loop3A_429 = arith.constant 7 : i32
          %parallel_loop3A_430 = vector.broadcast %parallel_loop3A_429 : i32 to vector<16xi32>
          %parallel_loop3A_431 = arith.cmpi eq, %parallel_loop3A_424, %parallel_loop3A_430 : vector<16xi32>
          %parallel_loop3A_432 = arith.select %parallel_loop3A_431, %parallel_loop3A_50, %parallel_loop3A_52 : vector<16xi1>, vector<16xf32>
          %parallel_loop3A_433 = arith.constant 8 : i32
          %parallel_loop3A_434 = vector.broadcast %parallel_loop3A_433 : i32 to vector<16xi32>
          %parallel_loop3A_435 = arith.cmpi eq, %parallel_loop3A_424, %parallel_loop3A_434 : vector<16xi32>
          %parallel_loop3A_436 = arith.select %parallel_loop3A_435, %parallel_loop3A_50, %parallel_loop3A_52 : vector<16xi1>, vector<16xf32>
          %parallel_loop3A_437 = arith.constant 15 : i32
          %parallel_loop3A_438 = vector.broadcast %parallel_loop3A_437 : i32 to vector<16xi32>
          %parallel_loop3A_439 = arith.cmpi eq, %parallel_loop3A_424, %parallel_loop3A_438 : vector<16xi32>
          %parallel_loop3A_440 = arith.select %parallel_loop3A_439, %parallel_loop3A_50, %parallel_loop3A_52 : vector<16xi1>, vector<16xf32>
          %parallel_loop3A_441 = arith.constant 16 : i32
          %parallel_loop3A_442 = vector.broadcast %parallel_loop3A_441 : i32 to vector<16xi32>
          %parallel_loop3A_443 = arith.cmpi eq, %parallel_loop3A_424, %parallel_loop3A_442 : vector<16xi32>
          %parallel_loop3A_444 = arith.select %parallel_loop3A_443, %parallel_loop3A_50, %parallel_loop3A_52 : vector<16xi1>, vector<16xf32>
          %parallel_loop3A_445 = arith.addf %parallel_loop3A_428, %parallel_loop3A_432 : vector<16xf32>
          %parallel_loop3A_446 = arith.addf %parallel_loop3A_445, %parallel_loop3A_436 : vector<16xf32>
          %parallel_loop3A_447 = arith.addf %parallel_loop3A_446, %parallel_loop3A_440 : vector<16xf32>
          %parallel_loop3A_448 = arith.addf %parallel_loop3A_447, %parallel_loop3A_444 : vector<16xf32>
          %parallel_loop3A_449 = arith.subf %parallel_loop3A_50, %parallel_loop3A_448 : vector<16xf32>
          %parallel_loop3A_450 = arith.constant 0 : i32
          %parallel_loop3A_451 = arith.index_cast %parallel_loop3A_48 : i32 to index
          %parallel_loop3A_452 = arith.index_cast %parallel_loop3A_450 : i32 to index
          %parallel_loop3A_453 = arith.constant 96 : index
          %parallel_loop3A_454 = tpu.vector_load %arg5[%parallel_loop3A_451, %parallel_loop3A_452, %parallel_loop3A_453] {strides = array<i32>} : memref<25x8x128xf32, #tpu.memory_space<vmem>>, vector<16xf32>,
          tpu.vector_store %arg5[%parallel_loop3A_451, %parallel_loop3A_452, %parallel_loop3A_453], %parallel_loop3A_428 {strides = array<i32>} : memref<25x8x128xf32, #tpu.memory_space<vmem>>, vector<16xf32>,
          %parallel_loop3A_455 = arith.constant 1 : i32
          %parallel_loop3A_456 = arith.index_cast %parallel_loop3A_48 : i32 to index
          %parallel_loop3A_457 = arith.index_cast %parallel_loop3A_455 : i32 to index
          %parallel_loop3A_458 = arith.constant 96 : index
          %parallel_loop3A_459 = tpu.vector_load %arg5[%parallel_loop3A_456, %parallel_loop3A_457, %parallel_loop3A_458] {strides = array<i32>} : memref<25x8x128xf32, #tpu.memory_space<vmem>>, vector<16xf32>,
          tpu.vector_store %arg5[%parallel_loop3A_456, %parallel_loop3A_457, %parallel_loop3A_458], %parallel_loop3A_432 {strides = array<i32>} : memref<25x8x128xf32, #tpu.memory_space<vmem>>, vector<16xf32>,
          %parallel_loop3A_460 = arith.constant 2 : i32
          %parallel_loop3A_461 = arith.index_cast %parallel_loop3A_48 : i32 to index
          %parallel_loop3A_462 = arith.index_cast %parallel_loop3A_460 : i32 to index
          %parallel_loop3A_463 = arith.constant 96 : index
          %parallel_loop3A_464 = tpu.vector_load %arg5[%parallel_loop3A_461, %parallel_loop3A_462, %parallel_loop3A_463] {strides = array<i32>} : memref<25x8x128xf32, #tpu.memory_space<vmem>>, vector<16xf32>,
          tpu.vector_store %arg5[%parallel_loop3A_461, %parallel_loop3A_462, %parallel_loop3A_463], %parallel_loop3A_436 {strides = array<i32>} : memref<25x8x128xf32, #tpu.memory_space<vmem>>, vector<16xf32>,
          %parallel_loop3A_465 = arith.constant 3 : i32
          %parallel_loop3A_466 = arith.index_cast %parallel_loop3A_48 : i32 to index
          %parallel_loop3A_467 = arith.index_cast %parallel_loop3A_465 : i32 to index
          %parallel_loop3A_468 = arith.constant 96 : index
          %parallel_loop3A_469 = tpu.vector_load %arg5[%parallel_loop3A_466, %parallel_loop3A_467, %parallel_loop3A_468] {strides = array<i32>} : memref<25x8x128xf32, #tpu.memory_space<vmem>>, vector<16xf32>,
          tpu.vector_store %arg5[%parallel_loop3A_466, %parallel_loop3A_467, %parallel_loop3A_468], %parallel_loop3A_440 {strides = array<i32>} : memref<25x8x128xf32, #tpu.memory_space<vmem>>, vector<16xf32>,
          %parallel_loop3A_470 = arith.constant 4 : i32
          %parallel_loop3A_471 = arith.index_cast %parallel_loop3A_48 : i32 to index
          %parallel_loop3A_472 = arith.index_cast %parallel_loop3A_470 : i32 to index
          %parallel_loop3A_473 = arith.constant 96 : index
          %parallel_loop3A_474 = tpu.vector_load %arg5[%parallel_loop3A_471, %parallel_loop3A_472, %parallel_loop3A_473] {strides = array<i32>} : memref<25x8x128xf32, #tpu.memory_space<vmem>>, vector<16xf32>,
          tpu.vector_store %arg5[%parallel_loop3A_471, %parallel_loop3A_472, %parallel_loop3A_473], %parallel_loop3A_444 {strides = array<i32>} : memref<25x8x128xf32, #tpu.memory_space<vmem>>, vector<16xf32>,
          %parallel_loop3A_475 = arith.constant 5 : i32
          %parallel_loop3A_476 = arith.index_cast %parallel_loop3A_48 : i32 to index
          %parallel_loop3A_477 = arith.index_cast %parallel_loop3A_475 : i32 to index
          %parallel_loop3A_478 = arith.constant 96 : index
          %parallel_loop3A_479 = tpu.vector_load %arg5[%parallel_loop3A_476, %parallel_loop3A_477, %parallel_loop3A_478] {strides = array<i32>} : memref<25x8x128xf32, #tpu.memory_space<vmem>>, vector<16xf32>,
          tpu.vector_store %arg5[%parallel_loop3A_476, %parallel_loop3A_477, %parallel_loop3A_478], %parallel_loop3A_449 {strides = array<i32>} : memref<25x8x128xf32, #tpu.memory_space<vmem>>, vector<16xf32>,
          %parallel_loop3A_480 = arith.constant 128 : i32
          %parallel_loop3A_481 = arith.muli %parallel_loop3A_48, %parallel_loop3A_480 : i32
          %parallel_loop3A_482 = arith.constant 112 : i32
          %parallel_loop3A_483 = arith.addi %parallel_loop3A_481, %parallel_loop3A_482 : i32
          %parallel_loop3A_484 = arith.index_cast %parallel_loop3A_483 : i32 to index
          %parallel_loop3A_485 = tpu.vector_load %arg4[%parallel_loop3A_484] {strides = array<i32>} : memref<3200xi32, #tpu.memory_space<vmem>>, vector<16xi32>,
          %parallel_loop3A_486 = arith.constant 6 : i32
          %parallel_loop3A_487 = vector.broadcast %parallel_loop3A_486 : i32 to vector<16xi32>
          %parallel_loop3A_488 = arith.cmpi eq, %parallel_loop3A_485, %parallel_loop3A_487 : vector<16xi32>
          %parallel_loop3A_489 = arith.select %parallel_loop3A_488, %parallel_loop3A_50, %parallel_loop3A_52 : vector<16xi1>, vector<16xf32>
          %parallel_loop3A_490 = arith.constant 7 : i32
          %parallel_loop3A_491 = vector.broadcast %parallel_loop3A_490 : i32 to vector<16xi32>
          %parallel_loop3A_492 = arith.cmpi eq, %parallel_loop3A_485, %parallel_loop3A_491 : vector<16xi32>
          %parallel_loop3A_493 = arith.select %parallel_loop3A_492, %parallel_loop3A_50, %parallel_loop3A_52 : vector<16xi1>, vector<16xf32>
          %parallel_loop3A_494 = arith.constant 8 : i32
          %parallel_loop3A_495 = vector.broadcast %parallel_loop3A_494 : i32 to vector<16xi32>
          %parallel_loop3A_496 = arith.cmpi eq, %parallel_loop3A_485, %parallel_loop3A_495 : vector<16xi32>
          %parallel_loop3A_497 = arith.select %parallel_loop3A_496, %parallel_loop3A_50, %parallel_loop3A_52 : vector<16xi1>, vector<16xf32>
          %parallel_loop3A_498 = arith.constant 15 : i32
          %parallel_loop3A_499 = vector.broadcast %parallel_loop3A_498 : i32 to vector<16xi32>
          %parallel_loop3A_500 = arith.cmpi eq, %parallel_loop3A_485, %parallel_loop3A_499 : vector<16xi32>
          %parallel_loop3A_501 = arith.select %parallel_loop3A_500, %parallel_loop3A_50, %parallel_loop3A_52 : vector<16xi1>, vector<16xf32>
          %parallel_loop3A_502 = arith.constant 16 : i32
          %parallel_loop3A_503 = vector.broadcast %parallel_loop3A_502 : i32 to vector<16xi32>
          %parallel_loop3A_504 = arith.cmpi eq, %parallel_loop3A_485, %parallel_loop3A_503 : vector<16xi32>
          %parallel_loop3A_505 = arith.select %parallel_loop3A_504, %parallel_loop3A_50, %parallel_loop3A_52 : vector<16xi1>, vector<16xf32>
          %parallel_loop3A_506 = arith.addf %parallel_loop3A_489, %parallel_loop3A_493 : vector<16xf32>
          %parallel_loop3A_507 = arith.addf %parallel_loop3A_506, %parallel_loop3A_497 : vector<16xf32>
          %parallel_loop3A_508 = arith.addf %parallel_loop3A_507, %parallel_loop3A_501 : vector<16xf32>
          %parallel_loop3A_509 = arith.addf %parallel_loop3A_508, %parallel_loop3A_505 : vector<16xf32>
          %parallel_loop3A_510 = arith.subf %parallel_loop3A_50, %parallel_loop3A_509 : vector<16xf32>
          %parallel_loop3A_511 = arith.constant 0 : i32
          %parallel_loop3A_512 = arith.index_cast %parallel_loop3A_48 : i32 to index
          %parallel_loop3A_513 = arith.index_cast %parallel_loop3A_511 : i32 to index
          %parallel_loop3A_514 = arith.constant 112 : index
          %parallel_loop3A_515 = tpu.vector_load %arg5[%parallel_loop3A_512, %parallel_loop3A_513, %parallel_loop3A_514] {strides = array<i32>} : memref<25x8x128xf32, #tpu.memory_space<vmem>>, vector<16xf32>,
          tpu.vector_store %arg5[%parallel_loop3A_512, %parallel_loop3A_513, %parallel_loop3A_514], %parallel_loop3A_489 {strides = array<i32>} : memref<25x8x128xf32, #tpu.memory_space<vmem>>, vector<16xf32>,
          %parallel_loop3A_516 = arith.constant 1 : i32
          %parallel_loop3A_517 = arith.index_cast %parallel_loop3A_48 : i32 to index
          %parallel_loop3A_518 = arith.index_cast %parallel_loop3A_516 : i32 to index
          %parallel_loop3A_519 = arith.constant 112 : index
          %parallel_loop3A_520 = tpu.vector_load %arg5[%parallel_loop3A_517, %parallel_loop3A_518, %parallel_loop3A_519] {strides = array<i32>} : memref<25x8x128xf32, #tpu.memory_space<vmem>>, vector<16xf32>,
          tpu.vector_store %arg5[%parallel_loop3A_517, %parallel_loop3A_518, %parallel_loop3A_519], %parallel_loop3A_493 {strides = array<i32>} : memref<25x8x128xf32, #tpu.memory_space<vmem>>, vector<16xf32>,
          %parallel_loop3A_521 = arith.constant 2 : i32
          %parallel_loop3A_522 = arith.index_cast %parallel_loop3A_48 : i32 to index
          %parallel_loop3A_523 = arith.index_cast %parallel_loop3A_521 : i32 to index
          %parallel_loop3A_524 = arith.constant 112 : index
          %parallel_loop3A_525 = tpu.vector_load %arg5[%parallel_loop3A_522, %parallel_loop3A_523, %parallel_loop3A_524] {strides = array<i32>} : memref<25x8x128xf32, #tpu.memory_space<vmem>>, vector<16xf32>,
          tpu.vector_store %arg5[%parallel_loop3A_522, %parallel_loop3A_523, %parallel_loop3A_524], %parallel_loop3A_497 {strides = array<i32>} : memref<25x8x128xf32, #tpu.memory_space<vmem>>, vector<16xf32>,
          %parallel_loop3A_526 = arith.constant 3 : i32
          %parallel_loop3A_527 = arith.index_cast %parallel_loop3A_48 : i32 to index
          %parallel_loop3A_528 = arith.index_cast %parallel_loop3A_526 : i32 to index
          %parallel_loop3A_529 = arith.constant 112 : index
          %parallel_loop3A_530 = tpu.vector_load %arg5[%parallel_loop3A_527, %parallel_loop3A_528, %parallel_loop3A_529] {strides = array<i32>} : memref<25x8x128xf32, #tpu.memory_space<vmem>>, vector<16xf32>,
          tpu.vector_store %arg5[%parallel_loop3A_527, %parallel_loop3A_528, %parallel_loop3A_529], %parallel_loop3A_501 {strides = array<i32>} : memref<25x8x128xf32, #tpu.memory_space<vmem>>, vector<16xf32>,
          %parallel_loop3A_531 = arith.constant 4 : i32
          %parallel_loop3A_532 = arith.index_cast %parallel_loop3A_48 : i32 to index
          %parallel_loop3A_533 = arith.index_cast %parallel_loop3A_531 : i32 to index
          %parallel_loop3A_534 = arith.constant 112 : index
          %parallel_loop3A_535 = tpu.vector_load %arg5[%parallel_loop3A_532, %parallel_loop3A_533, %parallel_loop3A_534] {strides = array<i32>} : memref<25x8x128xf32, #tpu.memory_space<vmem>>, vector<16xf32>,
          tpu.vector_store %arg5[%parallel_loop3A_532, %parallel_loop3A_533, %parallel_loop3A_534], %parallel_loop3A_505 {strides = array<i32>} : memref<25x8x128xf32, #tpu.memory_space<vmem>>, vector<16xf32>,
          %parallel_loop3A_536 = arith.constant 5 : i32
          %parallel_loop3A_537 = arith.index_cast %parallel_loop3A_48 : i32 to index
          %parallel_loop3A_538 = arith.index_cast %parallel_loop3A_536 : i32 to index
          %parallel_loop3A_539 = arith.constant 112 : index
          %parallel_loop3A_540 = tpu.vector_load %arg5[%parallel_loop3A_537, %parallel_loop3A_538, %parallel_loop3A_539] {strides = array<i32>} : memref<25x8x128xf32, #tpu.memory_space<vmem>>, vector<16xf32>,
          tpu.vector_store %arg5[%parallel_loop3A_537, %parallel_loop3A_538, %parallel_loop3A_539], %parallel_loop3A_510 {strides = array<i32>} : memref<25x8x128xf32, #tpu.memory_space<vmem>>, vector<16xf32>,
        } {sc.loop_unroll_factor = 2 : i64, sc.parallel_access}
        %mul3A_27 = arith.constant 5 : i32
        %mul3A_28 = arith.muli %add3A_24, %mul3A_27 : i32
        %mul3A_29 = arith.constant 25 : i32
        %mul3A_30 = arith.muli %add3A, %mul3A_29 : i32
        %mul3A_31 = arith.constant 5 : i32
        %mul3A_32 = arith.muli %add3A_24, %mul3A_31 : i32
        %add3A_33 = arith.addi %mul3A_30, %mul3A_32 : i32
        %dma_start3A = arith.constant 0 : i32
        %dma_start3A_34 = arith.constant 0 : i32
        %dma_start3A_35 = tpu.memref_slice %arg5[%mul3A_28, %dma_start3A, %dma_start3A_34] : memref<25x8x128xf32, #tpu.memory_space<vmem>> -> memref<5x8x128xf32, #tpu.memory_space<vmem>>
        %dma_start3A_36 = arith.constant 0 : i32
        %dma_start3A_37 = arith.constant 0 : i32
        %dma_start3A_38 = tpu.memref_slice %arg3[%add3A_33, %dma_start3A_36, %dma_start3A_37] : memref<782x8x128xf32, #tpu.memory_space<hbm>> -> memref<5x8x128xf32, #tpu.memory_space<hbm>>
        %dma_start3A_39 = arith.constant 0 : i32
        %dma_start3A_40 = arith.constant 0 : i32
        %dma_start3A_41 = tpu.memref_slice %arg3[%add3A_33, %dma_start3A_39, %dma_start3A_40] : memref<782x8x128xf32, #tpu.memory_space<hbm>> -> memref<5x8x128xf32, #tpu.memory_space<hbm>>
        %dma_start3A_42 = arith.constant 0 : i32
        %dma_start3A_43 = arith.constant 0 : i32
        %dma_start3A_44 = tpu.memref_slice %arg5[%mul3A_28, %dma_start3A_42, %dma_start3A_43] : memref<25x8x128xf32, #tpu.memory_space<vmem>> -> memref<5x8x128xf32, #tpu.memory_space<vmem>>
        tpu.enqueue_dma source(%dma_start3A_44 : memref<5x8x128xf32, #tpu.memory_space<vmem>>) target(%dma_start3A_41 : memref<5x8x128xf32, #tpu.memory_space<hbm>>) target_semaphore(%arg6 : memref<!tpu.dma_semaphore, #tpu.memory_space<semaphore_mem>>)
      }
      %scan3A_12 = arith.constant 5 : i32
      %dma_wait3A = arith.constant 0 : i32
      %dma_wait3A_13 = arith.constant 0 : i32
      %dma_wait3A_14 = arith.constant 0 : i32
      %dma_wait3A_15 = tpu.memref_slice %arg3[%dma_wait3A, %dma_wait3A_13, %dma_wait3A_14] : memref<782x8x128xf32, #tpu.memory_space<hbm>> -> memref<25x8x128xf32, #tpu.memory_space<hbm>>
      %dma_wait3A_16 = arith.constant 0 : i32
      %dma_wait3A_17 = arith.constant 0 : i32
      %dma_wait3A_18 = arith.constant 0 : i32
      %dma_wait3A_19 = tpu.memref_slice %arg3[%dma_wait3A_16, %dma_wait3A_17, %dma_wait3A_18] : memref<782x8x128xf32, #tpu.memory_space<hbm>> -> memref<25x8x128xf32, #tpu.memory_space<hbm>>
      tpu.wait_dma2 semaphore(%arg6 : memref<!tpu.dma_semaphore, #tpu.memory_space<semaphore_mem>>) src(%dma_wait3A_19 : memref<25x8x128xf32, #tpu.memory_space<hbm>>) dst(%arg5 : memref<25x8x128xf32, #tpu.memory_space<vmem>>)
    } else {
    }
    %eq3A = arith.constant 31 : i32
    %eq3A_3 = arith.cmpi eq, %add3A, %eq3A : i32
    %convert_element_type3A_4 = arith.extui %eq3A_3 : i1 to i32
    %cond3A_5 = arith.constant 0 : i32
    %cond3A_6 = arith.cmpi ne, %convert_element_type3A_4, %cond3A_5 : i32
    scf.if %cond3A_6 {
      "tpu.region"() ({
        %run_scoped3A = tpu.sem_alloc : memref<!tpu.dma_semaphore, #tpu.memory_space<semaphore_mem>>
        %dma_start3A = arith.constant 0 : i32
        %dma_start3A_9 = tpu.memref_slice %arg4[%dma_start3A] : memref<3200xi32, #tpu.memory_space<vmem>> -> memref<800xi32, #tpu.memory_space<vmem>>
        %dma_start3A_10 = arith.constant 99200 : i32
        %dma_start3A_11 = tpu.memref_slice %arg2[%dma_start3A_10] : memref<100000xi32, #tpu.memory_space<hbm>> -> memref<800xi32, #tpu.memory_space<hbm>>
        %dma_start3A_12 = arith.constant 0 : i32
        %dma_start3A_13 = tpu.memref_slice %arg4[%dma_start3A_12] : memref<3200xi32, #tpu.memory_space<vmem>> -> memref<800xi32, #tpu.memory_space<vmem>>
        %dma_start3A_14 = arith.constant 99200 : i32
        %dma_start3A_15 = tpu.memref_slice %arg2[%dma_start3A_14] : memref<100000xi32, #tpu.memory_space<hbm>> -> memref<800xi32, #tpu.memory_space<hbm>>
        tpu.enqueue_dma source(%dma_start3A_15 : memref<800xi32, #tpu.memory_space<hbm>>) target(%dma_start3A_13 : memref<800xi32, #tpu.memory_space<vmem>>) target_semaphore(%run_scoped3A : memref<!tpu.dma_semaphore, #tpu.memory_space<semaphore_mem>>)
        %dma_wait3A = arith.constant 0 : i32
        %dma_wait3A_16 = tpu.memref_slice %arg4[%dma_wait3A] : memref<3200xi32, #tpu.memory_space<vmem>> -> memref<800xi32, #tpu.memory_space<vmem>>
        %dma_wait3A_17 = arith.constant 99200 : i32
        %dma_wait3A_18 = tpu.memref_slice %arg2[%dma_wait3A_17] : memref<100000xi32, #tpu.memory_space<hbm>> -> memref<800xi32, #tpu.memory_space<hbm>>
        %dma_wait3A_19 = arith.constant 0 : i32
        %dma_wait3A_20 = tpu.memref_slice %arg4[%dma_wait3A_19] : memref<3200xi32, #tpu.memory_space<vmem>> -> memref<800xi32, #tpu.memory_space<vmem>>
        %dma_wait3A_21 = arith.constant 99200 : i32
        %dma_wait3A_22 = tpu.memref_slice %arg2[%dma_wait3A_21] : memref<100000xi32, #tpu.memory_space<hbm>> -> memref<800xi32, #tpu.memory_space<hbm>>
        tpu.wait_dma2 semaphore(%run_scoped3A : memref<!tpu.dma_semaphore, #tpu.memory_space<semaphore_mem>>) src(%dma_wait3A_22 : memref<800xi32, #tpu.memory_space<hbm>>) dst(%dma_wait3A_20 : memref<800xi32, #tpu.memory_space<vmem>>)
        tpu.yield
      }) : () -> ()
      %parallel_loop3A = arith.constant 0 : i32
      %parallel_loop3A_7 = arith.constant 7 : i32
      %parallel_loop3A_8 = arith.constant 1 : i32
      scf.for %parallel_loop3A_9 = %parallel_loop3A to %parallel_loop3A_7 step %parallel_loop3A_8  : i32 {
        %parallel_loop3A_10 = arith.constant 1.000000e+00 : f32
        %parallel_loop3A_11 = vector.broadcast %parallel_loop3A_10 : f32 to vector<16xf32>
        %parallel_loop3A_12 = arith.constant 0.000000e+00 : f32
        %parallel_loop3A_13 = vector.broadcast %parallel_loop3A_12 : f32 to vector<16xf32>
        %parallel_loop3A_14 = arith.constant 128 : i32
        %parallel_loop3A_15 = arith.muli %parallel_loop3A_9, %parallel_loop3A_14 : i32
        %parallel_loop3A_16 = arith.constant 0 : i32
        %parallel_loop3A_17 = arith.addi %parallel_loop3A_15, %parallel_loop3A_16 : i32
        %parallel_loop3A_18 = arith.index_cast %parallel_loop3A_17 : i32 to index
        %parallel_loop3A_19 = tpu.vector_load %arg4[%parallel_loop3A_18] {strides = array<i32>} : memref<3200xi32, #tpu.memory_space<vmem>>, vector<16xi32>,
        %parallel_loop3A_20 = arith.constant 6 : i32
        %parallel_loop3A_21 = vector.broadcast %parallel_loop3A_20 : i32 to vector<16xi32>
        %parallel_loop3A_22 = arith.cmpi eq, %parallel_loop3A_19, %parallel_loop3A_21 : vector<16xi32>
        %parallel_loop3A_23 = arith.select %parallel_loop3A_22, %parallel_loop3A_11, %parallel_loop3A_13 : vector<16xi1>, vector<16xf32>
        %parallel_loop3A_24 = arith.constant 7 : i32
        %parallel_loop3A_25 = vector.broadcast %parallel_loop3A_24 : i32 to vector<16xi32>
        %parallel_loop3A_26 = arith.cmpi eq, %parallel_loop3A_19, %parallel_loop3A_25 : vector<16xi32>
        %parallel_loop3A_27 = arith.select %parallel_loop3A_26, %parallel_loop3A_11, %parallel_loop3A_13 : vector<16xi1>, vector<16xf32>
        %parallel_loop3A_28 = arith.constant 8 : i32
        %parallel_loop3A_29 = vector.broadcast %parallel_loop3A_28 : i32 to vector<16xi32>
        %parallel_loop3A_30 = arith.cmpi eq, %parallel_loop3A_19, %parallel_loop3A_29 : vector<16xi32>
        %parallel_loop3A_31 = arith.select %parallel_loop3A_30, %parallel_loop3A_11, %parallel_loop3A_13 : vector<16xi1>, vector<16xf32>
        %parallel_loop3A_32 = arith.constant 15 : i32
        %parallel_loop3A_33 = vector.broadcast %parallel_loop3A_32 : i32 to vector<16xi32>
        %parallel_loop3A_34 = arith.cmpi eq, %parallel_loop3A_19, %parallel_loop3A_33 : vector<16xi32>
        %parallel_loop3A_35 = arith.select %parallel_loop3A_34, %parallel_loop3A_11, %parallel_loop3A_13 : vector<16xi1>, vector<16xf32>
        %parallel_loop3A_36 = arith.constant 16 : i32
        %parallel_loop3A_37 = vector.broadcast %parallel_loop3A_36 : i32 to vector<16xi32>
        %parallel_loop3A_38 = arith.cmpi eq, %parallel_loop3A_19, %parallel_loop3A_37 : vector<16xi32>
        %parallel_loop3A_39 = arith.select %parallel_loop3A_38, %parallel_loop3A_11, %parallel_loop3A_13 : vector<16xi1>, vector<16xf32>
        %parallel_loop3A_40 = arith.addf %parallel_loop3A_23, %parallel_loop3A_27 : vector<16xf32>
        %parallel_loop3A_41 = arith.addf %parallel_loop3A_40, %parallel_loop3A_31 : vector<16xf32>
        %parallel_loop3A_42 = arith.addf %parallel_loop3A_41, %parallel_loop3A_35 : vector<16xf32>
        %parallel_loop3A_43 = arith.addf %parallel_loop3A_42, %parallel_loop3A_39 : vector<16xf32>
        %parallel_loop3A_44 = arith.subf %parallel_loop3A_11, %parallel_loop3A_43 : vector<16xf32>
        %parallel_loop3A_45 = arith.constant 0 : i32
        %parallel_loop3A_46 = arith.index_cast %parallel_loop3A_9 : i32 to index
        %parallel_loop3A_47 = arith.index_cast %parallel_loop3A_45 : i32 to index
        %parallel_loop3A_48 = arith.constant 0 : index
        %parallel_loop3A_49 = tpu.vector_load %arg5[%parallel_loop3A_46, %parallel_loop3A_47, %parallel_loop3A_48] {strides = array<i32>} : memref<25x8x128xf32, #tpu.memory_space<vmem>>, vector<16xf32>,
        tpu.vector_store %arg5[%parallel_loop3A_46, %parallel_loop3A_47, %parallel_loop3A_48], %parallel_loop3A_23 {strides = array<i32>} : memref<25x8x128xf32, #tpu.memory_space<vmem>>, vector<16xf32>,
        %parallel_loop3A_50 = arith.constant 1 : i32
        %parallel_loop3A_51 = arith.index_cast %parallel_loop3A_9 : i32 to index
        %parallel_loop3A_52 = arith.index_cast %parallel_loop3A_50 : i32 to index
        %parallel_loop3A_53 = arith.constant 0 : index
        %parallel_loop3A_54 = tpu.vector_load %arg5[%parallel_loop3A_51, %parallel_loop3A_52, %parallel_loop3A_53] {strides = array<i32>} : memref<25x8x128xf32, #tpu.memory_space<vmem>>, vector<16xf32>,
        tpu.vector_store %arg5[%parallel_loop3A_51, %parallel_loop3A_52, %parallel_loop3A_53], %parallel_loop3A_27 {strides = array<i32>} : memref<25x8x128xf32, #tpu.memory_space<vmem>>, vector<16xf32>,
        %parallel_loop3A_55 = arith.constant 2 : i32
        %parallel_loop3A_56 = arith.index_cast %parallel_loop3A_9 : i32 to index
        %parallel_loop3A_57 = arith.index_cast %parallel_loop3A_55 : i32 to index
        %parallel_loop3A_58 = arith.constant 0 : index
        %parallel_loop3A_59 = tpu.vector_load %arg5[%parallel_loop3A_56, %parallel_loop3A_57, %parallel_loop3A_58] {strides = array<i32>} : memref<25x8x128xf32, #tpu.memory_space<vmem>>, vector<16xf32>,
        tpu.vector_store %arg5[%parallel_loop3A_56, %parallel_loop3A_57, %parallel_loop3A_58], %parallel_loop3A_31 {strides = array<i32>} : memref<25x8x128xf32, #tpu.memory_space<vmem>>, vector<16xf32>,
        %parallel_loop3A_60 = arith.constant 3 : i32
        %parallel_loop3A_61 = arith.index_cast %parallel_loop3A_9 : i32 to index
        %parallel_loop3A_62 = arith.index_cast %parallel_loop3A_60 : i32 to index
        %parallel_loop3A_63 = arith.constant 0 : index
        %parallel_loop3A_64 = tpu.vector_load %arg5[%parallel_loop3A_61, %parallel_loop3A_62, %parallel_loop3A_63] {strides = array<i32>} : memref<25x8x128xf32, #tpu.memory_space<vmem>>, vector<16xf32>,
        tpu.vector_store %arg5[%parallel_loop3A_61, %parallel_loop3A_62, %parallel_loop3A_63], %parallel_loop3A_35 {strides = array<i32>} : memref<25x8x128xf32, #tpu.memory_space<vmem>>, vector<16xf32>,
        %parallel_loop3A_65 = arith.constant 4 : i32
        %parallel_loop3A_66 = arith.index_cast %parallel_loop3A_9 : i32 to index
        %parallel_loop3A_67 = arith.index_cast %parallel_loop3A_65 : i32 to index
        %parallel_loop3A_68 = arith.constant 0 : index
        %parallel_loop3A_69 = tpu.vector_load %arg5[%parallel_loop3A_66, %parallel_loop3A_67, %parallel_loop3A_68] {strides = array<i32>} : memref<25x8x128xf32, #tpu.memory_space<vmem>>, vector<16xf32>,
        tpu.vector_store %arg5[%parallel_loop3A_66, %parallel_loop3A_67, %parallel_loop3A_68], %parallel_loop3A_39 {strides = array<i32>} : memref<25x8x128xf32, #tpu.memory_space<vmem>>, vector<16xf32>,
        %parallel_loop3A_70 = arith.constant 5 : i32
        %parallel_loop3A_71 = arith.index_cast %parallel_loop3A_9 : i32 to index
        %parallel_loop3A_72 = arith.index_cast %parallel_loop3A_70 : i32 to index
        %parallel_loop3A_73 = arith.constant 0 : index
        %parallel_loop3A_74 = tpu.vector_load %arg5[%parallel_loop3A_71, %parallel_loop3A_72, %parallel_loop3A_73] {strides = array<i32>} : memref<25x8x128xf32, #tpu.memory_space<vmem>>, vector<16xf32>,
        tpu.vector_store %arg5[%parallel_loop3A_71, %parallel_loop3A_72, %parallel_loop3A_73], %parallel_loop3A_44 {strides = array<i32>} : memref<25x8x128xf32, #tpu.memory_space<vmem>>, vector<16xf32>,
        %parallel_loop3A_75 = arith.constant 128 : i32
        %parallel_loop3A_76 = arith.muli %parallel_loop3A_9, %parallel_loop3A_75 : i32
        %parallel_loop3A_77 = arith.constant 16 : i32
        %parallel_loop3A_78 = arith.addi %parallel_loop3A_76, %parallel_loop3A_77 : i32
        %parallel_loop3A_79 = arith.index_cast %parallel_loop3A_78 : i32 to index
        %parallel_loop3A_80 = tpu.vector_load %arg4[%parallel_loop3A_79] {strides = array<i32>} : memref<3200xi32, #tpu.memory_space<vmem>>, vector<16xi32>,
        %parallel_loop3A_81 = arith.constant 6 : i32
        %parallel_loop3A_82 = vector.broadcast %parallel_loop3A_81 : i32 to vector<16xi32>
        %parallel_loop3A_83 = arith.cmpi eq, %parallel_loop3A_80, %parallel_loop3A_82 : vector<16xi32>
        %parallel_loop3A_84 = arith.select %parallel_loop3A_83, %parallel_loop3A_11, %parallel_loop3A_13 : vector<16xi1>, vector<16xf32>
        %parallel_loop3A_85 = arith.constant 7 : i32
        %parallel_loop3A_86 = vector.broadcast %parallel_loop3A_85 : i32 to vector<16xi32>
        %parallel_loop3A_87 = arith.cmpi eq, %parallel_loop3A_80, %parallel_loop3A_86 : vector<16xi32>
        %parallel_loop3A_88 = arith.select %parallel_loop3A_87, %parallel_loop3A_11, %parallel_loop3A_13 : vector<16xi1>, vector<16xf32>
        %parallel_loop3A_89 = arith.constant 8 : i32
        %parallel_loop3A_90 = vector.broadcast %parallel_loop3A_89 : i32 to vector<16xi32>
        %parallel_loop3A_91 = arith.cmpi eq, %parallel_loop3A_80, %parallel_loop3A_90 : vector<16xi32>
        %parallel_loop3A_92 = arith.select %parallel_loop3A_91, %parallel_loop3A_11, %parallel_loop3A_13 : vector<16xi1>, vector<16xf32>
        %parallel_loop3A_93 = arith.constant 15 : i32
        %parallel_loop3A_94 = vector.broadcast %parallel_loop3A_93 : i32 to vector<16xi32>
        %parallel_loop3A_95 = arith.cmpi eq, %parallel_loop3A_80, %parallel_loop3A_94 : vector<16xi32>
        %parallel_loop3A_96 = arith.select %parallel_loop3A_95, %parallel_loop3A_11, %parallel_loop3A_13 : vector<16xi1>, vector<16xf32>
        %parallel_loop3A_97 = arith.constant 16 : i32
        %parallel_loop3A_98 = vector.broadcast %parallel_loop3A_97 : i32 to vector<16xi32>
        %parallel_loop3A_99 = arith.cmpi eq, %parallel_loop3A_80, %parallel_loop3A_98 : vector<16xi32>
        %parallel_loop3A_100 = arith.select %parallel_loop3A_99, %parallel_loop3A_11, %parallel_loop3A_13 : vector<16xi1>, vector<16xf32>
        %parallel_loop3A_101 = arith.addf %parallel_loop3A_84, %parallel_loop3A_88 : vector<16xf32>
        %parallel_loop3A_102 = arith.addf %parallel_loop3A_101, %parallel_loop3A_92 : vector<16xf32>
        %parallel_loop3A_103 = arith.addf %parallel_loop3A_102, %parallel_loop3A_96 : vector<16xf32>
        %parallel_loop3A_104 = arith.addf %parallel_loop3A_103, %parallel_loop3A_100 : vector<16xf32>
        %parallel_loop3A_105 = arith.subf %parallel_loop3A_11, %parallel_loop3A_104 : vector<16xf32>
        %parallel_loop3A_106 = arith.constant 0 : i32
        %parallel_loop3A_107 = arith.index_cast %parallel_loop3A_9 : i32 to index
        %parallel_loop3A_108 = arith.index_cast %parallel_loop3A_106 : i32 to index
        %parallel_loop3A_109 = arith.constant 16 : index
        %parallel_loop3A_110 = tpu.vector_load %arg5[%parallel_loop3A_107, %parallel_loop3A_108, %parallel_loop3A_109] {strides = array<i32>} : memref<25x8x128xf32, #tpu.memory_space<vmem>>, vector<16xf32>,
        tpu.vector_store %arg5[%parallel_loop3A_107, %parallel_loop3A_108, %parallel_loop3A_109], %parallel_loop3A_84 {strides = array<i32>} : memref<25x8x128xf32, #tpu.memory_space<vmem>>, vector<16xf32>,
        %parallel_loop3A_111 = arith.constant 1 : i32
        %parallel_loop3A_112 = arith.index_cast %parallel_loop3A_9 : i32 to index
        %parallel_loop3A_113 = arith.index_cast %parallel_loop3A_111 : i32 to index
        %parallel_loop3A_114 = arith.constant 16 : index
        %parallel_loop3A_115 = tpu.vector_load %arg5[%parallel_loop3A_112, %parallel_loop3A_113, %parallel_loop3A_114] {strides = array<i32>} : memref<25x8x128xf32, #tpu.memory_space<vmem>>, vector<16xf32>,
        tpu.vector_store %arg5[%parallel_loop3A_112, %parallel_loop3A_113, %parallel_loop3A_114], %parallel_loop3A_88 {strides = array<i32>} : memref<25x8x128xf32, #tpu.memory_space<vmem>>, vector<16xf32>,
        %parallel_loop3A_116 = arith.constant 2 : i32
        %parallel_loop3A_117 = arith.index_cast %parallel_loop3A_9 : i32 to index
        %parallel_loop3A_118 = arith.index_cast %parallel_loop3A_116 : i32 to index
        %parallel_loop3A_119 = arith.constant 16 : index
        %parallel_loop3A_120 = tpu.vector_load %arg5[%parallel_loop3A_117, %parallel_loop3A_118, %parallel_loop3A_119] {strides = array<i32>} : memref<25x8x128xf32, #tpu.memory_space<vmem>>, vector<16xf32>,
        tpu.vector_store %arg5[%parallel_loop3A_117, %parallel_loop3A_118, %parallel_loop3A_119], %parallel_loop3A_92 {strides = array<i32>} : memref<25x8x128xf32, #tpu.memory_space<vmem>>, vector<16xf32>,
        %parallel_loop3A_121 = arith.constant 3 : i32
        %parallel_loop3A_122 = arith.index_cast %parallel_loop3A_9 : i32 to index
        %parallel_loop3A_123 = arith.index_cast %parallel_loop3A_121 : i32 to index
        %parallel_loop3A_124 = arith.constant 16 : index
        %parallel_loop3A_125 = tpu.vector_load %arg5[%parallel_loop3A_122, %parallel_loop3A_123, %parallel_loop3A_124] {strides = array<i32>} : memref<25x8x128xf32, #tpu.memory_space<vmem>>, vector<16xf32>,
        tpu.vector_store %arg5[%parallel_loop3A_122, %parallel_loop3A_123, %parallel_loop3A_124], %parallel_loop3A_96 {strides = array<i32>} : memref<25x8x128xf32, #tpu.memory_space<vmem>>, vector<16xf32>,
        %parallel_loop3A_126 = arith.constant 4 : i32
        %parallel_loop3A_127 = arith.index_cast %parallel_loop3A_9 : i32 to index
        %parallel_loop3A_128 = arith.index_cast %parallel_loop3A_126 : i32 to index
        %parallel_loop3A_129 = arith.constant 16 : index
        %parallel_loop3A_130 = tpu.vector_load %arg5[%parallel_loop3A_127, %parallel_loop3A_128, %parallel_loop3A_129] {strides = array<i32>} : memref<25x8x128xf32, #tpu.memory_space<vmem>>, vector<16xf32>,
        tpu.vector_store %arg5[%parallel_loop3A_127, %parallel_loop3A_128, %parallel_loop3A_129], %parallel_loop3A_100 {strides = array<i32>} : memref<25x8x128xf32, #tpu.memory_space<vmem>>, vector<16xf32>,
        %parallel_loop3A_131 = arith.constant 5 : i32
        %parallel_loop3A_132 = arith.index_cast %parallel_loop3A_9 : i32 to index
        %parallel_loop3A_133 = arith.index_cast %parallel_loop3A_131 : i32 to index
        %parallel_loop3A_134 = arith.constant 16 : index
        %parallel_loop3A_135 = tpu.vector_load %arg5[%parallel_loop3A_132, %parallel_loop3A_133, %parallel_loop3A_134] {strides = array<i32>} : memref<25x8x128xf32, #tpu.memory_space<vmem>>, vector<16xf32>,
        tpu.vector_store %arg5[%parallel_loop3A_132, %parallel_loop3A_133, %parallel_loop3A_134], %parallel_loop3A_105 {strides = array<i32>} : memref<25x8x128xf32, #tpu.memory_space<vmem>>, vector<16xf32>,
        %parallel_loop3A_136 = arith.constant 128 : i32
        %parallel_loop3A_137 = arith.muli %parallel_loop3A_9, %parallel_loop3A_136 : i32
        %parallel_loop3A_138 = arith.constant 32 : i32
        %parallel_loop3A_139 = arith.addi %parallel_loop3A_137, %parallel_loop3A_138 : i32
        %parallel_loop3A_140 = arith.index_cast %parallel_loop3A_139 : i32 to index
        %parallel_loop3A_141 = tpu.vector_load %arg4[%parallel_loop3A_140] {strides = array<i32>} : memref<3200xi32, #tpu.memory_space<vmem>>, vector<16xi32>,
        %parallel_loop3A_142 = arith.constant 6 : i32
        %parallel_loop3A_143 = vector.broadcast %parallel_loop3A_142 : i32 to vector<16xi32>
        %parallel_loop3A_144 = arith.cmpi eq, %parallel_loop3A_141, %parallel_loop3A_143 : vector<16xi32>
        %parallel_loop3A_145 = arith.select %parallel_loop3A_144, %parallel_loop3A_11, %parallel_loop3A_13 : vector<16xi1>, vector<16xf32>
        %parallel_loop3A_146 = arith.constant 7 : i32
        %parallel_loop3A_147 = vector.broadcast %parallel_loop3A_146 : i32 to vector<16xi32>
        %parallel_loop3A_148 = arith.cmpi eq, %parallel_loop3A_141, %parallel_loop3A_147 : vector<16xi32>
        %parallel_loop3A_149 = arith.select %parallel_loop3A_148, %parallel_loop3A_11, %parallel_loop3A_13 : vector<16xi1>, vector<16xf32>
        %parallel_loop3A_150 = arith.constant 8 : i32
        %parallel_loop3A_151 = vector.broadcast %parallel_loop3A_150 : i32 to vector<16xi32>
        %parallel_loop3A_152 = arith.cmpi eq, %parallel_loop3A_141, %parallel_loop3A_151 : vector<16xi32>
        %parallel_loop3A_153 = arith.select %parallel_loop3A_152, %parallel_loop3A_11, %parallel_loop3A_13 : vector<16xi1>, vector<16xf32>
        %parallel_loop3A_154 = arith.constant 15 : i32
        %parallel_loop3A_155 = vector.broadcast %parallel_loop3A_154 : i32 to vector<16xi32>
        %parallel_loop3A_156 = arith.cmpi eq, %parallel_loop3A_141, %parallel_loop3A_155 : vector<16xi32>
        %parallel_loop3A_157 = arith.select %parallel_loop3A_156, %parallel_loop3A_11, %parallel_loop3A_13 : vector<16xi1>, vector<16xf32>
        %parallel_loop3A_158 = arith.constant 16 : i32
        %parallel_loop3A_159 = vector.broadcast %parallel_loop3A_158 : i32 to vector<16xi32>
        %parallel_loop3A_160 = arith.cmpi eq, %parallel_loop3A_141, %parallel_loop3A_159 : vector<16xi32>
        %parallel_loop3A_161 = arith.select %parallel_loop3A_160, %parallel_loop3A_11, %parallel_loop3A_13 : vector<16xi1>, vector<16xf32>
        %parallel_loop3A_162 = arith.addf %parallel_loop3A_145, %parallel_loop3A_149 : vector<16xf32>
        %parallel_loop3A_163 = arith.addf %parallel_loop3A_162, %parallel_loop3A_153 : vector<16xf32>
        %parallel_loop3A_164 = arith.addf %parallel_loop3A_163, %parallel_loop3A_157 : vector<16xf32>
        %parallel_loop3A_165 = arith.addf %parallel_loop3A_164, %parallel_loop3A_161 : vector<16xf32>
        %parallel_loop3A_166 = arith.subf %parallel_loop3A_11, %parallel_loop3A_165 : vector<16xf32>
        %parallel_loop3A_167 = arith.constant 0 : i32
        %parallel_loop3A_168 = arith.index_cast %parallel_loop3A_9 : i32 to index
        %parallel_loop3A_169 = arith.index_cast %parallel_loop3A_167 : i32 to index
        %parallel_loop3A_170 = arith.constant 32 : index
        %parallel_loop3A_171 = tpu.vector_load %arg5[%parallel_loop3A_168, %parallel_loop3A_169, %parallel_loop3A_170] {strides = array<i32>} : memref<25x8x128xf32, #tpu.memory_space<vmem>>, vector<16xf32>,
        tpu.vector_store %arg5[%parallel_loop3A_168, %parallel_loop3A_169, %parallel_loop3A_170], %parallel_loop3A_145 {strides = array<i32>} : memref<25x8x128xf32, #tpu.memory_space<vmem>>, vector<16xf32>,
        %parallel_loop3A_172 = arith.constant 1 : i32
        %parallel_loop3A_173 = arith.index_cast %parallel_loop3A_9 : i32 to index
        %parallel_loop3A_174 = arith.index_cast %parallel_loop3A_172 : i32 to index
        %parallel_loop3A_175 = arith.constant 32 : index
        %parallel_loop3A_176 = tpu.vector_load %arg5[%parallel_loop3A_173, %parallel_loop3A_174, %parallel_loop3A_175] {strides = array<i32>} : memref<25x8x128xf32, #tpu.memory_space<vmem>>, vector<16xf32>,
        tpu.vector_store %arg5[%parallel_loop3A_173, %parallel_loop3A_174, %parallel_loop3A_175], %parallel_loop3A_149 {strides = array<i32>} : memref<25x8x128xf32, #tpu.memory_space<vmem>>, vector<16xf32>,
        %parallel_loop3A_177 = arith.constant 2 : i32
        %parallel_loop3A_178 = arith.index_cast %parallel_loop3A_9 : i32 to index
        %parallel_loop3A_179 = arith.index_cast %parallel_loop3A_177 : i32 to index
        %parallel_loop3A_180 = arith.constant 32 : index
        %parallel_loop3A_181 = tpu.vector_load %arg5[%parallel_loop3A_178, %parallel_loop3A_179, %parallel_loop3A_180] {strides = array<i32>} : memref<25x8x128xf32, #tpu.memory_space<vmem>>, vector<16xf32>,
        tpu.vector_store %arg5[%parallel_loop3A_178, %parallel_loop3A_179, %parallel_loop3A_180], %parallel_loop3A_153 {strides = array<i32>} : memref<25x8x128xf32, #tpu.memory_space<vmem>>, vector<16xf32>,
        %parallel_loop3A_182 = arith.constant 3 : i32
        %parallel_loop3A_183 = arith.index_cast %parallel_loop3A_9 : i32 to index
        %parallel_loop3A_184 = arith.index_cast %parallel_loop3A_182 : i32 to index
        %parallel_loop3A_185 = arith.constant 32 : index
        %parallel_loop3A_186 = tpu.vector_load %arg5[%parallel_loop3A_183, %parallel_loop3A_184, %parallel_loop3A_185] {strides = array<i32>} : memref<25x8x128xf32, #tpu.memory_space<vmem>>, vector<16xf32>,
        tpu.vector_store %arg5[%parallel_loop3A_183, %parallel_loop3A_184, %parallel_loop3A_185], %parallel_loop3A_157 {strides = array<i32>} : memref<25x8x128xf32, #tpu.memory_space<vmem>>, vector<16xf32>,
        %parallel_loop3A_187 = arith.constant 4 : i32
        %parallel_loop3A_188 = arith.index_cast %parallel_loop3A_9 : i32 to index
        %parallel_loop3A_189 = arith.index_cast %parallel_loop3A_187 : i32 to index
        %parallel_loop3A_190 = arith.constant 32 : index
        %parallel_loop3A_191 = tpu.vector_load %arg5[%parallel_loop3A_188, %parallel_loop3A_189, %parallel_loop3A_190] {strides = array<i32>} : memref<25x8x128xf32, #tpu.memory_space<vmem>>, vector<16xf32>,
        tpu.vector_store %arg5[%parallel_loop3A_188, %parallel_loop3A_189, %parallel_loop3A_190], %parallel_loop3A_161 {strides = array<i32>} : memref<25x8x128xf32, #tpu.memory_space<vmem>>, vector<16xf32>,
        %parallel_loop3A_192 = arith.constant 5 : i32
        %parallel_loop3A_193 = arith.index_cast %parallel_loop3A_9 : i32 to index
        %parallel_loop3A_194 = arith.index_cast %parallel_loop3A_192 : i32 to index
        %parallel_loop3A_195 = arith.constant 32 : index
        %parallel_loop3A_196 = tpu.vector_load %arg5[%parallel_loop3A_193, %parallel_loop3A_194, %parallel_loop3A_195] {strides = array<i32>} : memref<25x8x128xf32, #tpu.memory_space<vmem>>, vector<16xf32>,
        tpu.vector_store %arg5[%parallel_loop3A_193, %parallel_loop3A_194, %parallel_loop3A_195], %parallel_loop3A_166 {strides = array<i32>} : memref<25x8x128xf32, #tpu.memory_space<vmem>>, vector<16xf32>,
        %parallel_loop3A_197 = arith.constant 128 : i32
        %parallel_loop3A_198 = arith.muli %parallel_loop3A_9, %parallel_loop3A_197 : i32
        %parallel_loop3A_199 = arith.constant 48 : i32
        %parallel_loop3A_200 = arith.addi %parallel_loop3A_198, %parallel_loop3A_199 : i32
        %parallel_loop3A_201 = arith.index_cast %parallel_loop3A_200 : i32 to index
        %parallel_loop3A_202 = tpu.vector_load %arg4[%parallel_loop3A_201] {strides = array<i32>} : memref<3200xi32, #tpu.memory_space<vmem>>, vector<16xi32>,
        %parallel_loop3A_203 = arith.constant 6 : i32
        %parallel_loop3A_204 = vector.broadcast %parallel_loop3A_203 : i32 to vector<16xi32>
        %parallel_loop3A_205 = arith.cmpi eq, %parallel_loop3A_202, %parallel_loop3A_204 : vector<16xi32>
        %parallel_loop3A_206 = arith.select %parallel_loop3A_205, %parallel_loop3A_11, %parallel_loop3A_13 : vector<16xi1>, vector<16xf32>
        %parallel_loop3A_207 = arith.constant 7 : i32
        %parallel_loop3A_208 = vector.broadcast %parallel_loop3A_207 : i32 to vector<16xi32>
        %parallel_loop3A_209 = arith.cmpi eq, %parallel_loop3A_202, %parallel_loop3A_208 : vector<16xi32>
        %parallel_loop3A_210 = arith.select %parallel_loop3A_209, %parallel_loop3A_11, %parallel_loop3A_13 : vector<16xi1>, vector<16xf32>
        %parallel_loop3A_211 = arith.constant 8 : i32
        %parallel_loop3A_212 = vector.broadcast %parallel_loop3A_211 : i32 to vector<16xi32>
        %parallel_loop3A_213 = arith.cmpi eq, %parallel_loop3A_202, %parallel_loop3A_212 : vector<16xi32>
        %parallel_loop3A_214 = arith.select %parallel_loop3A_213, %parallel_loop3A_11, %parallel_loop3A_13 : vector<16xi1>, vector<16xf32>
        %parallel_loop3A_215 = arith.constant 15 : i32
        %parallel_loop3A_216 = vector.broadcast %parallel_loop3A_215 : i32 to vector<16xi32>
        %parallel_loop3A_217 = arith.cmpi eq, %parallel_loop3A_202, %parallel_loop3A_216 : vector<16xi32>
        %parallel_loop3A_218 = arith.select %parallel_loop3A_217, %parallel_loop3A_11, %parallel_loop3A_13 : vector<16xi1>, vector<16xf32>
        %parallel_loop3A_219 = arith.constant 16 : i32
        %parallel_loop3A_220 = vector.broadcast %parallel_loop3A_219 : i32 to vector<16xi32>
        %parallel_loop3A_221 = arith.cmpi eq, %parallel_loop3A_202, %parallel_loop3A_220 : vector<16xi32>
        %parallel_loop3A_222 = arith.select %parallel_loop3A_221, %parallel_loop3A_11, %parallel_loop3A_13 : vector<16xi1>, vector<16xf32>
        %parallel_loop3A_223 = arith.addf %parallel_loop3A_206, %parallel_loop3A_210 : vector<16xf32>
        %parallel_loop3A_224 = arith.addf %parallel_loop3A_223, %parallel_loop3A_214 : vector<16xf32>
        %parallel_loop3A_225 = arith.addf %parallel_loop3A_224, %parallel_loop3A_218 : vector<16xf32>
        %parallel_loop3A_226 = arith.addf %parallel_loop3A_225, %parallel_loop3A_222 : vector<16xf32>
        %parallel_loop3A_227 = arith.subf %parallel_loop3A_11, %parallel_loop3A_226 : vector<16xf32>
        %parallel_loop3A_228 = arith.constant 0 : i32
        %parallel_loop3A_229 = arith.index_cast %parallel_loop3A_9 : i32 to index
        %parallel_loop3A_230 = arith.index_cast %parallel_loop3A_228 : i32 to index
        %parallel_loop3A_231 = arith.constant 48 : index
        %parallel_loop3A_232 = tpu.vector_load %arg5[%parallel_loop3A_229, %parallel_loop3A_230, %parallel_loop3A_231] {strides = array<i32>} : memref<25x8x128xf32, #tpu.memory_space<vmem>>, vector<16xf32>,
        tpu.vector_store %arg5[%parallel_loop3A_229, %parallel_loop3A_230, %parallel_loop3A_231], %parallel_loop3A_206 {strides = array<i32>} : memref<25x8x128xf32, #tpu.memory_space<vmem>>, vector<16xf32>,
        %parallel_loop3A_233 = arith.constant 1 : i32
        %parallel_loop3A_234 = arith.index_cast %parallel_loop3A_9 : i32 to index
        %parallel_loop3A_235 = arith.index_cast %parallel_loop3A_233 : i32 to index
        %parallel_loop3A_236 = arith.constant 48 : index
        %parallel_loop3A_237 = tpu.vector_load %arg5[%parallel_loop3A_234, %parallel_loop3A_235, %parallel_loop3A_236] {strides = array<i32>} : memref<25x8x128xf32, #tpu.memory_space<vmem>>, vector<16xf32>,
        tpu.vector_store %arg5[%parallel_loop3A_234, %parallel_loop3A_235, %parallel_loop3A_236], %parallel_loop3A_210 {strides = array<i32>} : memref<25x8x128xf32, #tpu.memory_space<vmem>>, vector<16xf32>,
        %parallel_loop3A_238 = arith.constant 2 : i32
        %parallel_loop3A_239 = arith.index_cast %parallel_loop3A_9 : i32 to index
        %parallel_loop3A_240 = arith.index_cast %parallel_loop3A_238 : i32 to index
        %parallel_loop3A_241 = arith.constant 48 : index
        %parallel_loop3A_242 = tpu.vector_load %arg5[%parallel_loop3A_239, %parallel_loop3A_240, %parallel_loop3A_241] {strides = array<i32>} : memref<25x8x128xf32, #tpu.memory_space<vmem>>, vector<16xf32>,
        tpu.vector_store %arg5[%parallel_loop3A_239, %parallel_loop3A_240, %parallel_loop3A_241], %parallel_loop3A_214 {strides = array<i32>} : memref<25x8x128xf32, #tpu.memory_space<vmem>>, vector<16xf32>,
        %parallel_loop3A_243 = arith.constant 3 : i32
        %parallel_loop3A_244 = arith.index_cast %parallel_loop3A_9 : i32 to index
        %parallel_loop3A_245 = arith.index_cast %parallel_loop3A_243 : i32 to index
        %parallel_loop3A_246 = arith.constant 48 : index
        %parallel_loop3A_247 = tpu.vector_load %arg5[%parallel_loop3A_244, %parallel_loop3A_245, %parallel_loop3A_246] {strides = array<i32>} : memref<25x8x128xf32, #tpu.memory_space<vmem>>, vector<16xf32>,
        tpu.vector_store %arg5[%parallel_loop3A_244, %parallel_loop3A_245, %parallel_loop3A_246], %parallel_loop3A_218 {strides = array<i32>} : memref<25x8x128xf32, #tpu.memory_space<vmem>>, vector<16xf32>,
        %parallel_loop3A_248 = arith.constant 4 : i32
        %parallel_loop3A_249 = arith.index_cast %parallel_loop3A_9 : i32 to index
        %parallel_loop3A_250 = arith.index_cast %parallel_loop3A_248 : i32 to index
        %parallel_loop3A_251 = arith.constant 48 : index
        %parallel_loop3A_252 = tpu.vector_load %arg5[%parallel_loop3A_249, %parallel_loop3A_250, %parallel_loop3A_251] {strides = array<i32>} : memref<25x8x128xf32, #tpu.memory_space<vmem>>, vector<16xf32>,
        tpu.vector_store %arg5[%parallel_loop3A_249, %parallel_loop3A_250, %parallel_loop3A_251], %parallel_loop3A_222 {strides = array<i32>} : memref<25x8x128xf32, #tpu.memory_space<vmem>>, vector<16xf32>,
        %parallel_loop3A_253 = arith.constant 5 : i32
        %parallel_loop3A_254 = arith.index_cast %parallel_loop3A_9 : i32 to index
        %parallel_loop3A_255 = arith.index_cast %parallel_loop3A_253 : i32 to index
        %parallel_loop3A_256 = arith.constant 48 : index
        %parallel_loop3A_257 = tpu.vector_load %arg5[%parallel_loop3A_254, %parallel_loop3A_255, %parallel_loop3A_256] {strides = array<i32>} : memref<25x8x128xf32, #tpu.memory_space<vmem>>, vector<16xf32>,
        tpu.vector_store %arg5[%parallel_loop3A_254, %parallel_loop3A_255, %parallel_loop3A_256], %parallel_loop3A_227 {strides = array<i32>} : memref<25x8x128xf32, #tpu.memory_space<vmem>>, vector<16xf32>,
        %parallel_loop3A_258 = arith.constant 128 : i32
        %parallel_loop3A_259 = arith.muli %parallel_loop3A_9, %parallel_loop3A_258 : i32
        %parallel_loop3A_260 = arith.constant 64 : i32
        %parallel_loop3A_261 = arith.addi %parallel_loop3A_259, %parallel_loop3A_260 : i32
        %parallel_loop3A_262 = arith.index_cast %parallel_loop3A_261 : i32 to index
        %parallel_loop3A_263 = tpu.vector_load %arg4[%parallel_loop3A_262] {strides = array<i32>} : memref<3200xi32, #tpu.memory_space<vmem>>, vector<16xi32>,
        %parallel_loop3A_264 = arith.constant 6 : i32
        %parallel_loop3A_265 = vector.broadcast %parallel_loop3A_264 : i32 to vector<16xi32>
        %parallel_loop3A_266 = arith.cmpi eq, %parallel_loop3A_263, %parallel_loop3A_265 : vector<16xi32>
        %parallel_loop3A_267 = arith.select %parallel_loop3A_266, %parallel_loop3A_11, %parallel_loop3A_13 : vector<16xi1>, vector<16xf32>
        %parallel_loop3A_268 = arith.constant 7 : i32
        %parallel_loop3A_269 = vector.broadcast %parallel_loop3A_268 : i32 to vector<16xi32>
        %parallel_loop3A_270 = arith.cmpi eq, %parallel_loop3A_263, %parallel_loop3A_269 : vector<16xi32>
        %parallel_loop3A_271 = arith.select %parallel_loop3A_270, %parallel_loop3A_11, %parallel_loop3A_13 : vector<16xi1>, vector<16xf32>
        %parallel_loop3A_272 = arith.constant 8 : i32
        %parallel_loop3A_273 = vector.broadcast %parallel_loop3A_272 : i32 to vector<16xi32>
        %parallel_loop3A_274 = arith.cmpi eq, %parallel_loop3A_263, %parallel_loop3A_273 : vector<16xi32>
        %parallel_loop3A_275 = arith.select %parallel_loop3A_274, %parallel_loop3A_11, %parallel_loop3A_13 : vector<16xi1>, vector<16xf32>
        %parallel_loop3A_276 = arith.constant 15 : i32
        %parallel_loop3A_277 = vector.broadcast %parallel_loop3A_276 : i32 to vector<16xi32>
        %parallel_loop3A_278 = arith.cmpi eq, %parallel_loop3A_263, %parallel_loop3A_277 : vector<16xi32>
        %parallel_loop3A_279 = arith.select %parallel_loop3A_278, %parallel_loop3A_11, %parallel_loop3A_13 : vector<16xi1>, vector<16xf32>
        %parallel_loop3A_280 = arith.constant 16 : i32
        %parallel_loop3A_281 = vector.broadcast %parallel_loop3A_280 : i32 to vector<16xi32>
        %parallel_loop3A_282 = arith.cmpi eq, %parallel_loop3A_263, %parallel_loop3A_281 : vector<16xi32>
        %parallel_loop3A_283 = arith.select %parallel_loop3A_282, %parallel_loop3A_11, %parallel_loop3A_13 : vector<16xi1>, vector<16xf32>
        %parallel_loop3A_284 = arith.addf %parallel_loop3A_267, %parallel_loop3A_271 : vector<16xf32>
        %parallel_loop3A_285 = arith.addf %parallel_loop3A_284, %parallel_loop3A_275 : vector<16xf32>
        %parallel_loop3A_286 = arith.addf %parallel_loop3A_285, %parallel_loop3A_279 : vector<16xf32>
        %parallel_loop3A_287 = arith.addf %parallel_loop3A_286, %parallel_loop3A_283 : vector<16xf32>
        %parallel_loop3A_288 = arith.subf %parallel_loop3A_11, %parallel_loop3A_287 : vector<16xf32>
        %parallel_loop3A_289 = arith.constant 0 : i32
        %parallel_loop3A_290 = arith.index_cast %parallel_loop3A_9 : i32 to index
        %parallel_loop3A_291 = arith.index_cast %parallel_loop3A_289 : i32 to index
        %parallel_loop3A_292 = arith.constant 64 : index
        %parallel_loop3A_293 = tpu.vector_load %arg5[%parallel_loop3A_290, %parallel_loop3A_291, %parallel_loop3A_292] {strides = array<i32>} : memref<25x8x128xf32, #tpu.memory_space<vmem>>, vector<16xf32>,
        tpu.vector_store %arg5[%parallel_loop3A_290, %parallel_loop3A_291, %parallel_loop3A_292], %parallel_loop3A_267 {strides = array<i32>} : memref<25x8x128xf32, #tpu.memory_space<vmem>>, vector<16xf32>,
        %parallel_loop3A_294 = arith.constant 1 : i32
        %parallel_loop3A_295 = arith.index_cast %parallel_loop3A_9 : i32 to index
        %parallel_loop3A_296 = arith.index_cast %parallel_loop3A_294 : i32 to index
        %parallel_loop3A_297 = arith.constant 64 : index
        %parallel_loop3A_298 = tpu.vector_load %arg5[%parallel_loop3A_295, %parallel_loop3A_296, %parallel_loop3A_297] {strides = array<i32>} : memref<25x8x128xf32, #tpu.memory_space<vmem>>, vector<16xf32>,
        tpu.vector_store %arg5[%parallel_loop3A_295, %parallel_loop3A_296, %parallel_loop3A_297], %parallel_loop3A_271 {strides = array<i32>} : memref<25x8x128xf32, #tpu.memory_space<vmem>>, vector<16xf32>,
        %parallel_loop3A_299 = arith.constant 2 : i32
        %parallel_loop3A_300 = arith.index_cast %parallel_loop3A_9 : i32 to index
        %parallel_loop3A_301 = arith.index_cast %parallel_loop3A_299 : i32 to index
        %parallel_loop3A_302 = arith.constant 64 : index
        %parallel_loop3A_303 = tpu.vector_load %arg5[%parallel_loop3A_300, %parallel_loop3A_301, %parallel_loop3A_302] {strides = array<i32>} : memref<25x8x128xf32, #tpu.memory_space<vmem>>, vector<16xf32>,
        tpu.vector_store %arg5[%parallel_loop3A_300, %parallel_loop3A_301, %parallel_loop3A_302], %parallel_loop3A_275 {strides = array<i32>} : memref<25x8x128xf32, #tpu.memory_space<vmem>>, vector<16xf32>,
        %parallel_loop3A_304 = arith.constant 3 : i32
        %parallel_loop3A_305 = arith.index_cast %parallel_loop3A_9 : i32 to index
        %parallel_loop3A_306 = arith.index_cast %parallel_loop3A_304 : i32 to index
        %parallel_loop3A_307 = arith.constant 64 : index
        %parallel_loop3A_308 = tpu.vector_load %arg5[%parallel_loop3A_305, %parallel_loop3A_306, %parallel_loop3A_307] {strides = array<i32>} : memref<25x8x128xf32, #tpu.memory_space<vmem>>, vector<16xf32>,
        tpu.vector_store %arg5[%parallel_loop3A_305, %parallel_loop3A_306, %parallel_loop3A_307], %parallel_loop3A_279 {strides = array<i32>} : memref<25x8x128xf32, #tpu.memory_space<vmem>>, vector<16xf32>,
        %parallel_loop3A_309 = arith.constant 4 : i32
        %parallel_loop3A_310 = arith.index_cast %parallel_loop3A_9 : i32 to index
        %parallel_loop3A_311 = arith.index_cast %parallel_loop3A_309 : i32 to index
        %parallel_loop3A_312 = arith.constant 64 : index
        %parallel_loop3A_313 = tpu.vector_load %arg5[%parallel_loop3A_310, %parallel_loop3A_311, %parallel_loop3A_312] {strides = array<i32>} : memref<25x8x128xf32, #tpu.memory_space<vmem>>, vector<16xf32>,
        tpu.vector_store %arg5[%parallel_loop3A_310, %parallel_loop3A_311, %parallel_loop3A_312], %parallel_loop3A_283 {strides = array<i32>} : memref<25x8x128xf32, #tpu.memory_space<vmem>>, vector<16xf32>,
        %parallel_loop3A_314 = arith.constant 5 : i32
        %parallel_loop3A_315 = arith.index_cast %parallel_loop3A_9 : i32 to index
        %parallel_loop3A_316 = arith.index_cast %parallel_loop3A_314 : i32 to index
        %parallel_loop3A_317 = arith.constant 64 : index
        %parallel_loop3A_318 = tpu.vector_load %arg5[%parallel_loop3A_315, %parallel_loop3A_316, %parallel_loop3A_317] {strides = array<i32>} : memref<25x8x128xf32, #tpu.memory_space<vmem>>, vector<16xf32>,
        tpu.vector_store %arg5[%parallel_loop3A_315, %parallel_loop3A_316, %parallel_loop3A_317], %parallel_loop3A_288 {strides = array<i32>} : memref<25x8x128xf32, #tpu.memory_space<vmem>>, vector<16xf32>,
        %parallel_loop3A_319 = arith.constant 128 : i32
        %parallel_loop3A_320 = arith.muli %parallel_loop3A_9, %parallel_loop3A_319 : i32
        %parallel_loop3A_321 = arith.constant 80 : i32
        %parallel_loop3A_322 = arith.addi %parallel_loop3A_320, %parallel_loop3A_321 : i32
        %parallel_loop3A_323 = arith.index_cast %parallel_loop3A_322 : i32 to index
        %parallel_loop3A_324 = tpu.vector_load %arg4[%parallel_loop3A_323] {strides = array<i32>} : memref<3200xi32, #tpu.memory_space<vmem>>, vector<16xi32>,
        %parallel_loop3A_325 = arith.constant 6 : i32
        %parallel_loop3A_326 = vector.broadcast %parallel_loop3A_325 : i32 to vector<16xi32>
        %parallel_loop3A_327 = arith.cmpi eq, %parallel_loop3A_324, %parallel_loop3A_326 : vector<16xi32>
        %parallel_loop3A_328 = arith.select %parallel_loop3A_327, %parallel_loop3A_11, %parallel_loop3A_13 : vector<16xi1>, vector<16xf32>
        %parallel_loop3A_329 = arith.constant 7 : i32
        %parallel_loop3A_330 = vector.broadcast %parallel_loop3A_329 : i32 to vector<16xi32>
        %parallel_loop3A_331 = arith.cmpi eq, %parallel_loop3A_324, %parallel_loop3A_330 : vector<16xi32>
        %parallel_loop3A_332 = arith.select %parallel_loop3A_331, %parallel_loop3A_11, %parallel_loop3A_13 : vector<16xi1>, vector<16xf32>
        %parallel_loop3A_333 = arith.constant 8 : i32
        %parallel_loop3A_334 = vector.broadcast %parallel_loop3A_333 : i32 to vector<16xi32>
        %parallel_loop3A_335 = arith.cmpi eq, %parallel_loop3A_324, %parallel_loop3A_334 : vector<16xi32>
        %parallel_loop3A_336 = arith.select %parallel_loop3A_335, %parallel_loop3A_11, %parallel_loop3A_13 : vector<16xi1>, vector<16xf32>
        %parallel_loop3A_337 = arith.constant 15 : i32
        %parallel_loop3A_338 = vector.broadcast %parallel_loop3A_337 : i32 to vector<16xi32>
        %parallel_loop3A_339 = arith.cmpi eq, %parallel_loop3A_324, %parallel_loop3A_338 : vector<16xi32>
        %parallel_loop3A_340 = arith.select %parallel_loop3A_339, %parallel_loop3A_11, %parallel_loop3A_13 : vector<16xi1>, vector<16xf32>
        %parallel_loop3A_341 = arith.constant 16 : i32
        %parallel_loop3A_342 = vector.broadcast %parallel_loop3A_341 : i32 to vector<16xi32>
        %parallel_loop3A_343 = arith.cmpi eq, %parallel_loop3A_324, %parallel_loop3A_342 : vector<16xi32>
        %parallel_loop3A_344 = arith.select %parallel_loop3A_343, %parallel_loop3A_11, %parallel_loop3A_13 : vector<16xi1>, vector<16xf32>
        %parallel_loop3A_345 = arith.addf %parallel_loop3A_328, %parallel_loop3A_332 : vector<16xf32>
        %parallel_loop3A_346 = arith.addf %parallel_loop3A_345, %parallel_loop3A_336 : vector<16xf32>
        %parallel_loop3A_347 = arith.addf %parallel_loop3A_346, %parallel_loop3A_340 : vector<16xf32>
        %parallel_loop3A_348 = arith.addf %parallel_loop3A_347, %parallel_loop3A_344 : vector<16xf32>
        %parallel_loop3A_349 = arith.subf %parallel_loop3A_11, %parallel_loop3A_348 : vector<16xf32>
        %parallel_loop3A_350 = arith.constant 0 : i32
        %parallel_loop3A_351 = arith.index_cast %parallel_loop3A_9 : i32 to index
        %parallel_loop3A_352 = arith.index_cast %parallel_loop3A_350 : i32 to index
        %parallel_loop3A_353 = arith.constant 80 : index
        %parallel_loop3A_354 = tpu.vector_load %arg5[%parallel_loop3A_351, %parallel_loop3A_352, %parallel_loop3A_353] {strides = array<i32>} : memref<25x8x128xf32, #tpu.memory_space<vmem>>, vector<16xf32>,
        tpu.vector_store %arg5[%parallel_loop3A_351, %parallel_loop3A_352, %parallel_loop3A_353], %parallel_loop3A_328 {strides = array<i32>} : memref<25x8x128xf32, #tpu.memory_space<vmem>>, vector<16xf32>,
        %parallel_loop3A_355 = arith.constant 1 : i32
        %parallel_loop3A_356 = arith.index_cast %parallel_loop3A_9 : i32 to index
        %parallel_loop3A_357 = arith.index_cast %parallel_loop3A_355 : i32 to index
        %parallel_loop3A_358 = arith.constant 80 : index
        %parallel_loop3A_359 = tpu.vector_load %arg5[%parallel_loop3A_356, %parallel_loop3A_357, %parallel_loop3A_358] {strides = array<i32>} : memref<25x8x128xf32, #tpu.memory_space<vmem>>, vector<16xf32>,
        tpu.vector_store %arg5[%parallel_loop3A_356, %parallel_loop3A_357, %parallel_loop3A_358], %parallel_loop3A_332 {strides = array<i32>} : memref<25x8x128xf32, #tpu.memory_space<vmem>>, vector<16xf32>,
        %parallel_loop3A_360 = arith.constant 2 : i32
        %parallel_loop3A_361 = arith.index_cast %parallel_loop3A_9 : i32 to index
        %parallel_loop3A_362 = arith.index_cast %parallel_loop3A_360 : i32 to index
        %parallel_loop3A_363 = arith.constant 80 : index
        %parallel_loop3A_364 = tpu.vector_load %arg5[%parallel_loop3A_361, %parallel_loop3A_362, %parallel_loop3A_363] {strides = array<i32>} : memref<25x8x128xf32, #tpu.memory_space<vmem>>, vector<16xf32>,
        tpu.vector_store %arg5[%parallel_loop3A_361, %parallel_loop3A_362, %parallel_loop3A_363], %parallel_loop3A_336 {strides = array<i32>} : memref<25x8x128xf32, #tpu.memory_space<vmem>>, vector<16xf32>,
        %parallel_loop3A_365 = arith.constant 3 : i32
        %parallel_loop3A_366 = arith.index_cast %parallel_loop3A_9 : i32 to index
        %parallel_loop3A_367 = arith.index_cast %parallel_loop3A_365 : i32 to index
        %parallel_loop3A_368 = arith.constant 80 : index
        %parallel_loop3A_369 = tpu.vector_load %arg5[%parallel_loop3A_366, %parallel_loop3A_367, %parallel_loop3A_368] {strides = array<i32>} : memref<25x8x128xf32, #tpu.memory_space<vmem>>, vector<16xf32>,
        tpu.vector_store %arg5[%parallel_loop3A_366, %parallel_loop3A_367, %parallel_loop3A_368], %parallel_loop3A_340 {strides = array<i32>} : memref<25x8x128xf32, #tpu.memory_space<vmem>>, vector<16xf32>,
        %parallel_loop3A_370 = arith.constant 4 : i32
        %parallel_loop3A_371 = arith.index_cast %parallel_loop3A_9 : i32 to index
        %parallel_loop3A_372 = arith.index_cast %parallel_loop3A_370 : i32 to index
        %parallel_loop3A_373 = arith.constant 80 : index
        %parallel_loop3A_374 = tpu.vector_load %arg5[%parallel_loop3A_371, %parallel_loop3A_372, %parallel_loop3A_373] {strides = array<i32>} : memref<25x8x128xf32, #tpu.memory_space<vmem>>, vector<16xf32>,
        tpu.vector_store %arg5[%parallel_loop3A_371, %parallel_loop3A_372, %parallel_loop3A_373], %parallel_loop3A_344 {strides = array<i32>} : memref<25x8x128xf32, #tpu.memory_space<vmem>>, vector<16xf32>,
        %parallel_loop3A_375 = arith.constant 5 : i32
        %parallel_loop3A_376 = arith.index_cast %parallel_loop3A_9 : i32 to index
        %parallel_loop3A_377 = arith.index_cast %parallel_loop3A_375 : i32 to index
        %parallel_loop3A_378 = arith.constant 80 : index
        %parallel_loop3A_379 = tpu.vector_load %arg5[%parallel_loop3A_376, %parallel_loop3A_377, %parallel_loop3A_378] {strides = array<i32>} : memref<25x8x128xf32, #tpu.memory_space<vmem>>, vector<16xf32>,
        tpu.vector_store %arg5[%parallel_loop3A_376, %parallel_loop3A_377, %parallel_loop3A_378], %parallel_loop3A_349 {strides = array<i32>} : memref<25x8x128xf32, #tpu.memory_space<vmem>>, vector<16xf32>,
        %parallel_loop3A_380 = arith.constant 128 : i32
        %parallel_loop3A_381 = arith.muli %parallel_loop3A_9, %parallel_loop3A_380 : i32
        %parallel_loop3A_382 = arith.constant 96 : i32
        %parallel_loop3A_383 = arith.addi %parallel_loop3A_381, %parallel_loop3A_382 : i32
        %parallel_loop3A_384 = arith.index_cast %parallel_loop3A_383 : i32 to index
        %parallel_loop3A_385 = tpu.vector_load %arg4[%parallel_loop3A_384] {strides = array<i32>} : memref<3200xi32, #tpu.memory_space<vmem>>, vector<16xi32>,
        %parallel_loop3A_386 = arith.constant 6 : i32
        %parallel_loop3A_387 = vector.broadcast %parallel_loop3A_386 : i32 to vector<16xi32>
        %parallel_loop3A_388 = arith.cmpi eq, %parallel_loop3A_385, %parallel_loop3A_387 : vector<16xi32>
        %parallel_loop3A_389 = arith.select %parallel_loop3A_388, %parallel_loop3A_11, %parallel_loop3A_13 : vector<16xi1>, vector<16xf32>
        %parallel_loop3A_390 = arith.constant 7 : i32
        %parallel_loop3A_391 = vector.broadcast %parallel_loop3A_390 : i32 to vector<16xi32>
        %parallel_loop3A_392 = arith.cmpi eq, %parallel_loop3A_385, %parallel_loop3A_391 : vector<16xi32>
        %parallel_loop3A_393 = arith.select %parallel_loop3A_392, %parallel_loop3A_11, %parallel_loop3A_13 : vector<16xi1>, vector<16xf32>
        %parallel_loop3A_394 = arith.constant 8 : i32
        %parallel_loop3A_395 = vector.broadcast %parallel_loop3A_394 : i32 to vector<16xi32>
        %parallel_loop3A_396 = arith.cmpi eq, %parallel_loop3A_385, %parallel_loop3A_395 : vector<16xi32>
        %parallel_loop3A_397 = arith.select %parallel_loop3A_396, %parallel_loop3A_11, %parallel_loop3A_13 : vector<16xi1>, vector<16xf32>
        %parallel_loop3A_398 = arith.constant 15 : i32
        %parallel_loop3A_399 = vector.broadcast %parallel_loop3A_398 : i32 to vector<16xi32>
        %parallel_loop3A_400 = arith.cmpi eq, %parallel_loop3A_385, %parallel_loop3A_399 : vector<16xi32>
        %parallel_loop3A_401 = arith.select %parallel_loop3A_400, %parallel_loop3A_11, %parallel_loop3A_13 : vector<16xi1>, vector<16xf32>
        %parallel_loop3A_402 = arith.constant 16 : i32
        %parallel_loop3A_403 = vector.broadcast %parallel_loop3A_402 : i32 to vector<16xi32>
        %parallel_loop3A_404 = arith.cmpi eq, %parallel_loop3A_385, %parallel_loop3A_403 : vector<16xi32>
        %parallel_loop3A_405 = arith.select %parallel_loop3A_404, %parallel_loop3A_11, %parallel_loop3A_13 : vector<16xi1>, vector<16xf32>
        %parallel_loop3A_406 = arith.addf %parallel_loop3A_389, %parallel_loop3A_393 : vector<16xf32>
        %parallel_loop3A_407 = arith.addf %parallel_loop3A_406, %parallel_loop3A_397 : vector<16xf32>
        %parallel_loop3A_408 = arith.addf %parallel_loop3A_407, %parallel_loop3A_401 : vector<16xf32>
        %parallel_loop3A_409 = arith.addf %parallel_loop3A_408, %parallel_loop3A_405 : vector<16xf32>
        %parallel_loop3A_410 = arith.subf %parallel_loop3A_11, %parallel_loop3A_409 : vector<16xf32>
        %parallel_loop3A_411 = arith.constant 0 : i32
        %parallel_loop3A_412 = arith.index_cast %parallel_loop3A_9 : i32 to index
        %parallel_loop3A_413 = arith.index_cast %parallel_loop3A_411 : i32 to index
        %parallel_loop3A_414 = arith.constant 96 : index
        %parallel_loop3A_415 = tpu.vector_load %arg5[%parallel_loop3A_412, %parallel_loop3A_413, %parallel_loop3A_414] {strides = array<i32>} : memref<25x8x128xf32, #tpu.memory_space<vmem>>, vector<16xf32>,
        tpu.vector_store %arg5[%parallel_loop3A_412, %parallel_loop3A_413, %parallel_loop3A_414], %parallel_loop3A_389 {strides = array<i32>} : memref<25x8x128xf32, #tpu.memory_space<vmem>>, vector<16xf32>,
        %parallel_loop3A_416 = arith.constant 1 : i32
        %parallel_loop3A_417 = arith.index_cast %parallel_loop3A_9 : i32 to index
        %parallel_loop3A_418 = arith.index_cast %parallel_loop3A_416 : i32 to index
        %parallel_loop3A_419 = arith.constant 96 : index
        %parallel_loop3A_420 = tpu.vector_load %arg5[%parallel_loop3A_417, %parallel_loop3A_418, %parallel_loop3A_419] {strides = array<i32>} : memref<25x8x128xf32, #tpu.memory_space<vmem>>, vector<16xf32>,
        tpu.vector_store %arg5[%parallel_loop3A_417, %parallel_loop3A_418, %parallel_loop3A_419], %parallel_loop3A_393 {strides = array<i32>} : memref<25x8x128xf32, #tpu.memory_space<vmem>>, vector<16xf32>,
        %parallel_loop3A_421 = arith.constant 2 : i32
        %parallel_loop3A_422 = arith.index_cast %parallel_loop3A_9 : i32 to index
        %parallel_loop3A_423 = arith.index_cast %parallel_loop3A_421 : i32 to index
        %parallel_loop3A_424 = arith.constant 96 : index
        %parallel_loop3A_425 = tpu.vector_load %arg5[%parallel_loop3A_422, %parallel_loop3A_423, %parallel_loop3A_424] {strides = array<i32>} : memref<25x8x128xf32, #tpu.memory_space<vmem>>, vector<16xf32>,
        tpu.vector_store %arg5[%parallel_loop3A_422, %parallel_loop3A_423, %parallel_loop3A_424], %parallel_loop3A_397 {strides = array<i32>} : memref<25x8x128xf32, #tpu.memory_space<vmem>>, vector<16xf32>,
        %parallel_loop3A_426 = arith.constant 3 : i32
        %parallel_loop3A_427 = arith.index_cast %parallel_loop3A_9 : i32 to index
        %parallel_loop3A_428 = arith.index_cast %parallel_loop3A_426 : i32 to index
        %parallel_loop3A_429 = arith.constant 96 : index
        %parallel_loop3A_430 = tpu.vector_load %arg5[%parallel_loop3A_427, %parallel_loop3A_428, %parallel_loop3A_429] {strides = array<i32>} : memref<25x8x128xf32, #tpu.memory_space<vmem>>, vector<16xf32>,
        tpu.vector_store %arg5[%parallel_loop3A_427, %parallel_loop3A_428, %parallel_loop3A_429], %parallel_loop3A_401 {strides = array<i32>} : memref<25x8x128xf32, #tpu.memory_space<vmem>>, vector<16xf32>,
        %parallel_loop3A_431 = arith.constant 4 : i32
        %parallel_loop3A_432 = arith.index_cast %parallel_loop3A_9 : i32 to index
        %parallel_loop3A_433 = arith.index_cast %parallel_loop3A_431 : i32 to index
        %parallel_loop3A_434 = arith.constant 96 : index
        %parallel_loop3A_435 = tpu.vector_load %arg5[%parallel_loop3A_432, %parallel_loop3A_433, %parallel_loop3A_434] {strides = array<i32>} : memref<25x8x128xf32, #tpu.memory_space<vmem>>, vector<16xf32>,
        tpu.vector_store %arg5[%parallel_loop3A_432, %parallel_loop3A_433, %parallel_loop3A_434], %parallel_loop3A_405 {strides = array<i32>} : memref<25x8x128xf32, #tpu.memory_space<vmem>>, vector<16xf32>,
        %parallel_loop3A_436 = arith.constant 5 : i32
        %parallel_loop3A_437 = arith.index_cast %parallel_loop3A_9 : i32 to index
        %parallel_loop3A_438 = arith.index_cast %parallel_loop3A_436 : i32 to index
        %parallel_loop3A_439 = arith.constant 96 : index
        %parallel_loop3A_440 = tpu.vector_load %arg5[%parallel_loop3A_437, %parallel_loop3A_438, %parallel_loop3A_439] {strides = array<i32>} : memref<25x8x128xf32, #tpu.memory_space<vmem>>, vector<16xf32>,
        tpu.vector_store %arg5[%parallel_loop3A_437, %parallel_loop3A_438, %parallel_loop3A_439], %parallel_loop3A_410 {strides = array<i32>} : memref<25x8x128xf32, #tpu.memory_space<vmem>>, vector<16xf32>,
        %parallel_loop3A_441 = arith.constant 128 : i32
        %parallel_loop3A_442 = arith.muli %parallel_loop3A_9, %parallel_loop3A_441 : i32
        %parallel_loop3A_443 = arith.constant 112 : i32
        %parallel_loop3A_444 = arith.addi %parallel_loop3A_442, %parallel_loop3A_443 : i32
        %parallel_loop3A_445 = arith.index_cast %parallel_loop3A_444 : i32 to index
        %parallel_loop3A_446 = tpu.vector_load %arg4[%parallel_loop3A_445] {strides = array<i32>} : memref<3200xi32, #tpu.memory_space<vmem>>, vector<16xi32>,
        %parallel_loop3A_447 = arith.constant 6 : i32
        %parallel_loop3A_448 = vector.broadcast %parallel_loop3A_447 : i32 to vector<16xi32>
        %parallel_loop3A_449 = arith.cmpi eq, %parallel_loop3A_446, %parallel_loop3A_448 : vector<16xi32>
        %parallel_loop3A_450 = arith.select %parallel_loop3A_449, %parallel_loop3A_11, %parallel_loop3A_13 : vector<16xi1>, vector<16xf32>
        %parallel_loop3A_451 = arith.constant 7 : i32
        %parallel_loop3A_452 = vector.broadcast %parallel_loop3A_451 : i32 to vector<16xi32>
        %parallel_loop3A_453 = arith.cmpi eq, %parallel_loop3A_446, %parallel_loop3A_452 : vector<16xi32>
        %parallel_loop3A_454 = arith.select %parallel_loop3A_453, %parallel_loop3A_11, %parallel_loop3A_13 : vector<16xi1>, vector<16xf32>
        %parallel_loop3A_455 = arith.constant 8 : i32
        %parallel_loop3A_456 = vector.broadcast %parallel_loop3A_455 : i32 to vector<16xi32>
        %parallel_loop3A_457 = arith.cmpi eq, %parallel_loop3A_446, %parallel_loop3A_456 : vector<16xi32>
        %parallel_loop3A_458 = arith.select %parallel_loop3A_457, %parallel_loop3A_11, %parallel_loop3A_13 : vector<16xi1>, vector<16xf32>
        %parallel_loop3A_459 = arith.constant 15 : i32
        %parallel_loop3A_460 = vector.broadcast %parallel_loop3A_459 : i32 to vector<16xi32>
        %parallel_loop3A_461 = arith.cmpi eq, %parallel_loop3A_446, %parallel_loop3A_460 : vector<16xi32>
        %parallel_loop3A_462 = arith.select %parallel_loop3A_461, %parallel_loop3A_11, %parallel_loop3A_13 : vector<16xi1>, vector<16xf32>
        %parallel_loop3A_463 = arith.constant 16 : i32
        %parallel_loop3A_464 = vector.broadcast %parallel_loop3A_463 : i32 to vector<16xi32>
        %parallel_loop3A_465 = arith.cmpi eq, %parallel_loop3A_446, %parallel_loop3A_464 : vector<16xi32>
        %parallel_loop3A_466 = arith.select %parallel_loop3A_465, %parallel_loop3A_11, %parallel_loop3A_13 : vector<16xi1>, vector<16xf32>
        %parallel_loop3A_467 = arith.addf %parallel_loop3A_450, %parallel_loop3A_454 : vector<16xf32>
        %parallel_loop3A_468 = arith.addf %parallel_loop3A_467, %parallel_loop3A_458 : vector<16xf32>
        %parallel_loop3A_469 = arith.addf %parallel_loop3A_468, %parallel_loop3A_462 : vector<16xf32>
        %parallel_loop3A_470 = arith.addf %parallel_loop3A_469, %parallel_loop3A_466 : vector<16xf32>
        %parallel_loop3A_471 = arith.subf %parallel_loop3A_11, %parallel_loop3A_470 : vector<16xf32>
        %parallel_loop3A_472 = arith.constant 0 : i32
        %parallel_loop3A_473 = arith.index_cast %parallel_loop3A_9 : i32 to index
        %parallel_loop3A_474 = arith.index_cast %parallel_loop3A_472 : i32 to index
        %parallel_loop3A_475 = arith.constant 112 : index
        %parallel_loop3A_476 = tpu.vector_load %arg5[%parallel_loop3A_473, %parallel_loop3A_474, %parallel_loop3A_475] {strides = array<i32>} : memref<25x8x128xf32, #tpu.memory_space<vmem>>, vector<16xf32>,
        tpu.vector_store %arg5[%parallel_loop3A_473, %parallel_loop3A_474, %parallel_loop3A_475], %parallel_loop3A_450 {strides = array<i32>} : memref<25x8x128xf32, #tpu.memory_space<vmem>>, vector<16xf32>,
        %parallel_loop3A_477 = arith.constant 1 : i32
        %parallel_loop3A_478 = arith.index_cast %parallel_loop3A_9 : i32 to index
        %parallel_loop3A_479 = arith.index_cast %parallel_loop3A_477 : i32 to index
        %parallel_loop3A_480 = arith.constant 112 : index
        %parallel_loop3A_481 = tpu.vector_load %arg5[%parallel_loop3A_478, %parallel_loop3A_479, %parallel_loop3A_480] {strides = array<i32>} : memref<25x8x128xf32, #tpu.memory_space<vmem>>, vector<16xf32>,
        tpu.vector_store %arg5[%parallel_loop3A_478, %parallel_loop3A_479, %parallel_loop3A_480], %parallel_loop3A_454 {strides = array<i32>} : memref<25x8x128xf32, #tpu.memory_space<vmem>>, vector<16xf32>,
        %parallel_loop3A_482 = arith.constant 2 : i32
        %parallel_loop3A_483 = arith.index_cast %parallel_loop3A_9 : i32 to index
        %parallel_loop3A_484 = arith.index_cast %parallel_loop3A_482 : i32 to index
        %parallel_loop3A_485 = arith.constant 112 : index
        %parallel_loop3A_486 = tpu.vector_load %arg5[%parallel_loop3A_483, %parallel_loop3A_484, %parallel_loop3A_485] {strides = array<i32>} : memref<25x8x128xf32, #tpu.memory_space<vmem>>, vector<16xf32>,
        tpu.vector_store %arg5[%parallel_loop3A_483, %parallel_loop3A_484, %parallel_loop3A_485], %parallel_loop3A_458 {strides = array<i32>} : memref<25x8x128xf32, #tpu.memory_space<vmem>>, vector<16xf32>,
        %parallel_loop3A_487 = arith.constant 3 : i32
        %parallel_loop3A_488 = arith.index_cast %parallel_loop3A_9 : i32 to index
        %parallel_loop3A_489 = arith.index_cast %parallel_loop3A_487 : i32 to index
        %parallel_loop3A_490 = arith.constant 112 : index
        %parallel_loop3A_491 = tpu.vector_load %arg5[%parallel_loop3A_488, %parallel_loop3A_489, %parallel_loop3A_490] {strides = array<i32>} : memref<25x8x128xf32, #tpu.memory_space<vmem>>, vector<16xf32>,
        tpu.vector_store %arg5[%parallel_loop3A_488, %parallel_loop3A_489, %parallel_loop3A_490], %parallel_loop3A_462 {strides = array<i32>} : memref<25x8x128xf32, #tpu.memory_space<vmem>>, vector<16xf32>,
        %parallel_loop3A_492 = arith.constant 4 : i32
        %parallel_loop3A_493 = arith.index_cast %parallel_loop3A_9 : i32 to index
        %parallel_loop3A_494 = arith.index_cast %parallel_loop3A_492 : i32 to index
        %parallel_loop3A_495 = arith.constant 112 : index
        %parallel_loop3A_496 = tpu.vector_load %arg5[%parallel_loop3A_493, %parallel_loop3A_494, %parallel_loop3A_495] {strides = array<i32>} : memref<25x8x128xf32, #tpu.memory_space<vmem>>, vector<16xf32>,
        tpu.vector_store %arg5[%parallel_loop3A_493, %parallel_loop3A_494, %parallel_loop3A_495], %parallel_loop3A_466 {strides = array<i32>} : memref<25x8x128xf32, #tpu.memory_space<vmem>>, vector<16xf32>,
        %parallel_loop3A_497 = arith.constant 5 : i32
        %parallel_loop3A_498 = arith.index_cast %parallel_loop3A_9 : i32 to index
        %parallel_loop3A_499 = arith.index_cast %parallel_loop3A_497 : i32 to index
        %parallel_loop3A_500 = arith.constant 112 : index
        %parallel_loop3A_501 = tpu.vector_load %arg5[%parallel_loop3A_498, %parallel_loop3A_499, %parallel_loop3A_500] {strides = array<i32>} : memref<25x8x128xf32, #tpu.memory_space<vmem>>, vector<16xf32>,
        tpu.vector_store %arg5[%parallel_loop3A_498, %parallel_loop3A_499, %parallel_loop3A_500], %parallel_loop3A_471 {strides = array<i32>} : memref<25x8x128xf32, #tpu.memory_space<vmem>>, vector<16xf32>,
      } {sc.loop_unroll_factor = 1 : i64, sc.parallel_access}
      "tpu.region"() ({
        %run_scoped3A = tpu.sem_alloc : memref<!tpu.dma_semaphore, #tpu.memory_space<semaphore_mem>>
        %dma_start3A = arith.constant 0 : i32
        %dma_start3A_9 = arith.constant 0 : i32
        %dma_start3A_10 = arith.constant 0 : i32
        %dma_start3A_11 = tpu.memref_slice %arg5[%dma_start3A, %dma_start3A_9, %dma_start3A_10] : memref<25x8x128xf32, #tpu.memory_space<vmem>> -> memref<7x8x128xf32, #tpu.memory_space<vmem>>
        %dma_start3A_12 = arith.constant 775 : i32
        %dma_start3A_13 = arith.constant 0 : i32
        %dma_start3A_14 = arith.constant 0 : i32
        %dma_start3A_15 = tpu.memref_slice %arg3[%dma_start3A_12, %dma_start3A_13, %dma_start3A_14] : memref<782x8x128xf32, #tpu.memory_space<hbm>> -> memref<7x8x128xf32, #tpu.memory_space<hbm>>
        %dma_start3A_16 = arith.constant 775 : i32
        %dma_start3A_17 = arith.constant 0 : i32
        %dma_start3A_18 = arith.constant 0 : i32
        %dma_start3A_19 = tpu.memref_slice %arg3[%dma_start3A_16, %dma_start3A_17, %dma_start3A_18] : memref<782x8x128xf32, #tpu.memory_space<hbm>> -> memref<7x8x128xf32, #tpu.memory_space<hbm>>
        %dma_start3A_20 = arith.constant 0 : i32
        %dma_start3A_21 = arith.constant 0 : i32
        %dma_start3A_22 = arith.constant 0 : i32
        %dma_start3A_23 = tpu.memref_slice %arg5[%dma_start3A_20, %dma_start3A_21, %dma_start3A_22] : memref<25x8x128xf32, #tpu.memory_space<vmem>> -> memref<7x8x128xf32, #tpu.memory_space<vmem>>
        tpu.enqueue_dma source(%dma_start3A_23 : memref<7x8x128xf32, #tpu.memory_space<vmem>>) target(%dma_start3A_19 : memref<7x8x128xf32, #tpu.memory_space<hbm>>) target_semaphore(%run_scoped3A : memref<!tpu.dma_semaphore, #tpu.memory_space<semaphore_mem>>)
        %dma_wait3A = arith.constant 0 : i32
        %dma_wait3A_24 = arith.constant 0 : i32
        %dma_wait3A_25 = arith.constant 0 : i32
        %dma_wait3A_26 = tpu.memref_slice %arg5[%dma_wait3A, %dma_wait3A_24, %dma_wait3A_25] : memref<25x8x128xf32, #tpu.memory_space<vmem>> -> memref<7x8x128xf32, #tpu.memory_space<vmem>>
        %dma_wait3A_27 = arith.constant 775 : i32
        %dma_wait3A_28 = arith.constant 0 : i32
        %dma_wait3A_29 = arith.constant 0 : i32
        %dma_wait3A_30 = tpu.memref_slice %arg3[%dma_wait3A_27, %dma_wait3A_28, %dma_wait3A_29] : memref<782x8x128xf32, #tpu.memory_space<hbm>> -> memref<7x8x128xf32, #tpu.memory_space<hbm>>
        %dma_wait3A_31 = arith.constant 775 : i32
        %dma_wait3A_32 = arith.constant 0 : i32
        %dma_wait3A_33 = arith.constant 0 : i32
        %dma_wait3A_34 = tpu.memref_slice %arg3[%dma_wait3A_31, %dma_wait3A_32, %dma_wait3A_33] : memref<782x8x128xf32, #tpu.memory_space<hbm>> -> memref<7x8x128xf32, #tpu.memory_space<hbm>>
        %dma_wait3A_35 = arith.constant 0 : i32
        %dma_wait3A_36 = arith.constant 0 : i32
        %dma_wait3A_37 = arith.constant 0 : i32
        %dma_wait3A_38 = tpu.memref_slice %arg5[%dma_wait3A_35, %dma_wait3A_36, %dma_wait3A_37] : memref<25x8x128xf32, #tpu.memory_space<vmem>> -> memref<7x8x128xf32, #tpu.memory_space<vmem>>
        tpu.wait_dma2 semaphore(%run_scoped3A : memref<!tpu.dma_semaphore, #tpu.memory_space<semaphore_mem>>) src(%dma_wait3A_38 : memref<7x8x128xf32, #tpu.memory_space<vmem>>) dst(%dma_wait3A_34 : memref<7x8x128xf32, #tpu.memory_space<hbm>>)
        tpu.yield
      }) : () -> ()
    } else {
    }
    return
  }
}

</mosaic_0001>

<sc_bundles>
// kernel: _embed.3.cloned.1.call-start
scs
__scs_entry_jumppad:
0x0: {  	(pc) =	sbr.rel $0x88, $3  }
0x1: {  	(tag) =	ssettag $0x0;
	lr =	simm.s32 $0x1  }
0x2: {  	[smem:$0x3FA0] =	sst lr;
	_ =	strace $0xD0000000  }
0x3: {  	_ = 	snop  }
0x4: {  	_ = 	snop  }
0x5: {  	_ = 	snop  }
0x6: {  	_ = 	snop  }
0x7: {  	_ = 	snop  }
__scs_overlays_trampoline_lowered:
0x8: {  	[smem:$0x3FAF] =	sst s0  }
0x9: {  	[smem:$0x3FB0] =	sst s1  }
0xa: {  	[smem:$0x3FB1] =	sst s2  }
0xb: {  	[smem:$0x3FB2] =	sst s3  }
0xc: {  	[smem:$0x3FB3] =	sst s4  }
0xd: {  	[smem:$0x3FB4] =	sst s5  }
0xe: {  	[smem:$0x3FB5] =	sst s6  }
0xf: {  	[smem:$0x3FB6] =	sst s7  }
0x10: {  	[smem:$0x3FB7] =	sst s8  }
0x11: {  	[smem:$0x3FB8] =	sst s9;
	s0 =	simm.s32 @!p0 $0x0  }
0x12: {  	s1 =	sld [smem:$0x3F9E];
	s0 =	simm.s32 @p0 $0x1  }
0x13: {  	[smem:$0x3FB9] =	sst s0;
	s0 =	simm.s32 @!p1 $0x0  }
0x14: {  	s2 =	sld [smem:$0x3F9D];
	s0 =	simm.s32 @p1 $0x1  }
0x15: {  	[smem:$0x3FBA] =	sst s0;
	s0 =	simm.s32 @!p2 $0x0  }
0x16: {  	s3 =	sld [smem:$0x3FDB];
	s0 =	simm.s32 @p2 $0x1  }
0x17: {  	s4 =	simm.s32 $0x1BF5;
	[smem:$0x3FBC] =	sst s0  }
0x18: {  	s0 =	sld [smem:$0x3F9F];
	_ =	swait.ge [sflag:s4], $0x0  }
0x19: {  	s7 =	sld [smem:$0x3FA0]  }
0x1a: {  	s8 =	sadd.s32 $0xFFFFE003, lr  }
0x1b: {  	s9 =	sadd.s32 $0xFFFFFEF7, lr;
	s5 =	simm.s32 $0xFFFFFFFF;
	p2 =	slt.u32 s8, $0xFFFFF086  }
0x1c: {  	p1 =	slt.u32 s9, $0xF7A;
	s5 =	simm.s32 @!p2 $0x0  }
0x1d: {  	s5 =	simm.s32 @p1 $0x1;
	p0 =	seq.s32 s7, s2  }
0x1e: {  	s7 =	smul.u32 @!p0 $0xF7A, s2;
	p2 =	seq.s32 @!p0 s5, $0x0  }
0x1f: {  	s9 =	smul.u32 $0xF7A, s1;
	s8 =	simm.s32 @!p0 $0x1BF5;
	p2 =	por !p2, p0  }
0x20: {  	[sflag:s8] =	ssyncset.s32 @!p0 $0xFFFFF086;
	s6 =	sadd.s32 @!p0 s3, s7;
	s7 =	simm.s32 @!p0 $0x108  }
0x21: {  	s3 =	sadd.s32 s3, s9;
	s6 =	sadd.s32 @!p0 $0x88, s6;
	s7 =	simm.s32 @p2 $0x1082  }
0x22: {  	[simem:s7], [sflag:s8] =	dma.local @!p0 [hbm:s6], $0xF7A  }
0x23: {  	s9 =	sor.u32 $0xD0000000, s2;
	s6 =	simm.s32 $0x108;
	_ =	swait.ge @!p0 [sflag:s8], $0x0  }
0x24: {  	s3 =	sadd.s32 $0x88, s3;
	s6 =	simm.s32 @!p1 $0x1082;
	[sflag:s4] =	ssyncset.s32 $0xFFFFF086  }
0x25: {  	[simem:s6], [sflag:s4] =	dma.local [hbm:s3], $0xF7A  }
0x26: {  	[smem:$0x3FA0] =	sst s1;
	(tag) =	ssettag s2;
	_ =	strace s9  }
0x27: {  	s1 =	sld [smem:$0x3FB0]  }
0x28: {  	s2 =	sld [smem:$0x3FB1]  }
0x29: {  	s4 =	sld [smem:$0x3FB3]  }
0x2a: {  	p0 =	seq.s32 s5, $0x0;
	s5 =	sld [smem:$0x3FB4]  }
0x2b: {  	s6 =	sld [smem:$0x3FB5]  }
0x2c: {  	s7 =	sld [smem:$0x3FB6]  }
0x2d: {  	s3 =	simm.s32 $0x108;
	s8 =	sld [smem:$0x3FB7]  }
0x2e: {  	s3 =	simm.s32 @!p0 $0x1082;
	s9 =	sld [smem:$0x3FB8]  }
0x2f: {  	lr =	sadd.s32 s0, s3;
	s0 =	sld [smem:$0x3FAF]  }
0x30: {  	s3 =	sld [smem:$0x3FB2]  }
0x31: {  	[smem:$0x3FBB] =	sst s10  }
0x32: {  	s10 =	sld [smem:$0x3FB9];
	_ =	sdelay $0x3  }
0x33: {  	p0 =	seq.s32 s10, $0x1;
	s10 =	sld [smem:$0x3FBB];
	_ =	sdelay $0x3  }
0x34: {  	[smem:$0x3FBB] =	sst s10  }
0x35: {  	s10 =	sld [smem:$0x3FBA];
	_ =	sdelay $0x3  }
0x36: {  	p1 =	seq.s32 s10, $0x1;
	s10 =	sld [smem:$0x3FBB];
	_ =	sdelay $0x3  }
0x37: {  	[smem:$0x3FBB] =	sst s10  }
0x38: {  	s10 =	sld [smem:$0x3FBC]  }
0x39: {  	_ = 	snop;
	(pc) =	sbr.ind lr, $3  }
0x3a: {  	_ = 	snop  }
0x3b: {  	_ = 	snop  }
0x3c: {  	p2 =	seq.s32 s10, $0x1;
	s10 =	sld [smem:$0x3FBB]  }
0x3d: {  	_ =	shalt  }
0x3e: {  	_ =	shalt  }
0x3f: {  	_ =	shalt  }
0x40: {  	_ =	shalt  }
0x41: {  	_ =	shalt  }
0x42: {  	_ =	shalt  }
0x43: {  	_ =	shalt  }
0x44: {  	_ =	shalt  }
0x45: {  	_ =	shalt  }
0x46: {  	_ =	shalt  }
0x47: {  	_ =	shalt  }
0x48: {  	_ =	shalt  }
0x49: {  	_ =	shalt  }
0x4a: {  	_ =	shalt  }
0x4b: {  	_ =	shalt  }
0x4c: {  	_ =	shalt  }
0x4d: {  	_ =	shalt  }
0x4e: {  	_ =	shalt  }
0x4f: {  	_ =	shalt  }
0x50: {  	_ =	shalt  }
0x51: {  	_ =	shalt  }
0x52: {  	_ =	shalt  }
0x53: {  	_ =	shalt  }
0x54: {  	_ =	shalt  }
0x55: {  	_ =	shalt  }
0x56: {  	_ =	shalt  }
0x57: {  	_ =	shalt  }
0x58: {  	_ =	shalt  }
0x59: {  	_ =	shalt  }
0x5a: {  	_ =	shalt  }
0x5b: {  	_ =	shalt  }
0x5c: {  	_ =	shalt  }
0x5d: {  	_ =	shalt  }
0x5e: {  	_ =	shalt  }
0x5f: {  	_ =	shalt  }
0x60: {  	_ =	shalt  }
0x61: {  	_ =	shalt  }
0x62: {  	_ =	shalt  }
0x63: {  	_ =	shalt  }
0x64: {  	_ =	shalt  }
0x65: {  	_ =	shalt  }
0x66: {  	_ =	shalt  }
0x67: {  	_ =	shalt  }
0x68: {  	_ =	shalt  }
0x69: {  	_ =	shalt  }
0x6a: {  	_ =	shalt  }
0x6b: {  	_ =	shalt  }
0x6c: {  	_ =	shalt  }
0x6d: {  	_ =	shalt  }
0x6e: {  	_ =	shalt  }
0x6f: {  	_ =	shalt  }
0x70: {  	_ =	shalt  }
0x71: {  	_ =	shalt  }
0x72: {  	_ =	shalt  }
0x73: {  	_ =	shalt  }
0x74: {  	_ =	shalt  }
0x75: {  	_ =	shalt  }
0x76: {  	_ =	shalt  }
0x77: {  	_ =	shalt  }
0x78: {  	_ =	shalt  }
0x79: {  	_ =	shalt  }
0x7a: {  	_ =	shalt  }
0x7b: {  	_ =	shalt  }
0x7c: {  	_ =	shalt  }
0x7d: {  	_ =	shalt  }
0x7e: {  	_ =	shalt  }
0x7f: {  	_ =	shalt  }
0x80: {  	_ =	shalt  }
0x81: {  	_ =	shalt  }
0x82: {  	_ =	shalt  }
0x83: {  	_ =	shalt  }
0x84: {  	_ =	shalt  }
0x85: {  	_ =	shalt  }
0x86: {  	_ =	shalt  }
0x87: {  	_ =	shalt  }
.Lfunc_end0:
.L_simem_size_0:
called_computation_lowered:
.L_overlay_start_0:
0x88: {  	s2 =	sld [smem:$0x3FD9]  }
0x89: {  	s3 =	sld [smem:$0x3FFE];
	_ =	sdelay $0x1  }
0x8a: {  	s1 =	srdreg.scid  }
0x8b: {  	s0 =	sand.u32 $0x1, s1  }
0x8c: {  	s17 =	sshll.u32 s0, $0xA;
	s2 =	sadd.s32 s3, s2  }
0x8d: {  	s2 =	sadd.s32 s2, s17  }
0x8e: {  	[smem:$0x3FC7] =	sst s2  }
0x8f: {  	_ = 	snop  }
0x90: {  	s2 =	sld [smem:$0x3FC9];
	(tm) =	ssettm $0x1  }
0x91: {  	s18 =	sld [smem:$0x3FFB];
	_ =	sdelay $0x3  }
0x92: {  	_ =	strace s18  }
0x93: {  	s3 =	sld [smem:$0x3FFC];
	_ =	sdelay $0x3  }
0x94: {  	_ =	strace s3  }
0x95: {  	s3 =	sld [smem:$0x3FFD];
	_ =	sdelay $0x3  }
0x96: {  	_ =	strace s3  }
0x97: {  	_ =	strace $0x8FFFFFFF  }
0x98: {  	s19 =	sld [smem:$0x3FDB];
	_ =	sdelay $0x1  }
0x99: {  	s4 =	simm.s32 $_scs_section_size  }
0x9a: {  	s5 =	simm.s32 $_size__tile_overlayer_lowered;
	s6 =	simm.s32 $_tile_overlayer_lowered  }
0x9b: {  	s22 =	simm.s32 $0x1BFF;
	s21 =	sshll.u32 s6, $0x1;
	s3 =	sadd.s32 s4, s19  }
0x9c: {  	s7 =	simm.s32 $0x0;
	s20 =	sshll.u32 s5, $0x1;
	s5 =	sadd.s32 s21, s3  }
0x9d: {  	[timem:s7], [sflag:s22] =	dma.local [hbm:s5], s20  }
0x9e: {  	_ =	swait.ge [sflag:s22], s20  }
0x9f: {  	s4 =	ssub.s32 $0x0, s20;
	[sflag:s22] =	ssyncset.done $0x0  }
0xa0: {  	[sflag:s22] =	ssyncadd.s32 s4;
	_ =	sdelay $0x1  }
0xa1: {  	s23 =	simm.s32 $0x1B8B  }
0xa2: {  	_ =	swait.ge [sflag:s23], $0x1  }
0xa3: {  	[sflag:s23] =	ssyncset.done $0x0  }
0xa4: {  	s25 =	simm.s32 $0x1B8E;
	s24 =	sld [smem:$0x3FFE];
	[sflag:s23] =	ssyncadd.s32 $0xFFFFFFFF  }
0xa5: {  	s26 =	simm.s32 $execute0_lowered;
	[smem:$0x3FD2] =	sst s25  }
0xa6: {  	s5 =	sshll.u32 s26, $0x1;
	_ =	strace $0x80000046;
	[dreg:$0x1] =	wrdreg $0xFFFFFFFF  }
0xa7: {  	s28 =	simm.s32 $_size_execute0_lowered;
	s3 =	sadd.s32 s3, s5;
	[dreg:$0x0] =	wrdreg $0x0  }
0xa8: {  	s5 =	sshll.u32 s28, $0x1;
	[dreg:$0x2] =	wrdreg s3  }
0xa9: {  	[dreg:$0x3] =	wrdreg s5  }
0xaa: {  	[dreg:$0x4] =	wrdreg $0xC0  }
0xab: {  	_ =	task [dreg:s7], $0x5FFFF  }
0xac: {  	[dreg:$0x1] =	wrdreg $0xFFFFFFFF  }
0xad: {  	[dreg:$0x0] =	wrdreg $0x60  }
0xae: {  	[dreg:$0x2] =	wrdreg s2  }
0xaf: {  	[dreg:$0x3] =	wrdreg s24  }
0xb0: {  	[dreg:$0x4] =	wrdreg $0x9  }
0xb1: {  	_ =	task.clear_ibuf [dreg:s7], $0x5FFFF;
	_ =	strace $0x90000046  }
0xb2: {  	s29 =	simm.s32 $0x9;
	_ =	strace $0x80000048  }
0xb3: {  	_ =	swait.ge [sflag:s29], $0x1  }
0xb4: {  	[sflag:s29] =	ssyncadd.s32 $0xFFFFFFFF  }
0xb5: {  	_ =	strace $0x90000048  }
0xb6: {  	_ =	sfence  }
0xb7: {  	s30 =	sld [smem:$0x0];
	_ =	sdelay $0x2  }
0xb8: {  	s31 =	sshll.u32 s1, $0xD;
	s1 =	sshrl.u32 s1, $0x2  }
0xb9: {  	s3 =	sand.u32 $0x4000, s31;
	s1 =	sadd.s32 s1, s30  }
0xba: {  	s0 =	sor.u32 s3, s0;
	s1 =	sshll.u32 s1, $0x11  }
0xbb: {  	s0 =	sor.u32 s1, s0  }
0xbc: {  	s0 =	sadd.s32 $0x8F2B, s0  }
0xbd: {  	[sflag:s0] =	ssyncadd.remote.s32 $0x1  }
0xbe: {  	_ =	sfence.sel $0xFFFF  }
0xbf: {  	[dreg:$0x0] =	wrdreg $0xFFFFFFFF;
	(pc) =	sbr.abs _section_cstart, $3  }
0xc0: {  	[dreg:$0x1] =	wrdreg $0xFFFFFFFF  }
0xc1: {  	_ =	task.clear_ibuf [dreg:s7], $0x2FFFF;
	_ =	strace $0x9FFFFFFF  }
0xc2: {  	(tm) =	ssettm $0x7FFFFFFF  }
0xc3: {  	_ =	shalt  }
tec
execute0_lowered:
.L_overlay_start_1:
0x0: {  	(tag) =	ssettag $0x1  }
0x1: {  	s6 =	rddreg [dreg:$0x0]  }
0x2: {  	s1 =	srdreg.scid;
	s0 =	stileid.u32  }
0x3: {  	s7 =	rddreg [dreg:$0x1];
	s2 =	simm.s32 $0x0;
	s10 =	simm.s32 $0xC80  }
0x4: {  	s11 =	simm.s32 $0x1;
	s3 =	sand.u32 $0x1, s1;
	s1 =	rddreg [dreg:$0x2]  }
0x5: {  	s12 =	simm.s32 $0x0;
	s4 =	sshll.u32 s0, $0x1;
	[smem:$0x7FF] =	sst s2  }
.Ltmp0:
0x6: {  	s9 =	sor.u32 s3, s4;
	s31 =	ssub.s32 $0x2, s3;
	(pc) =	sbr.rel .LBB2_1-.Ltmp0, $4  }
0x7: {  	_ =	strace $0x80000047;
	s3 =	sadd.s32 $0x400, s7;
	s5 =	smul.u32 $0x190, s9  }
0x8: {  	s7 =	sadd.s32 $0x18780, s7;
	s8 =	sshrl.u32 s31, $0x1;
	p0 =	seq.s32 s9, $0x1F  }
0x9: {  	s8 =	ssub.s32 s31, s8;
	s4 =	sadd.s32 s6, s5;
	s5 =	smul.u32 $0x19, s9  }
0xa: {  	v0 =	vimm.f32 $0.0e+00;
	s6 =	sadd.s32 $0x3070, s6;
	s8 =	smax.u32 s8, $0x1;
	s9 =	simm.s32 $0x2  }
.LBB2_9:
0xb: {  	v12 =	vld [tilespmem:s18+$0x10];
	_ =	sdelay $0x4  }
0xc: {  	vm3 =	veq.s32 v12, $0x6;
	vm4 =	veq.s32 v12, $0x7  }
0xd: {  	v13 =	vsel vm3, $0x3F800000, v0;
	v14 =	vsel vm4, $0x3F800000, v0  }
0xe: {  	vm11 =	veq.s32 v12, $0x8;
	v15 =	vadd.f32 v14, v13  }
0xf: {  	v16 =	vsel vm11, $0x3F800000, v0  }
0x10: {  	vm12 =	veq.s32 v12, $0xF;
	v15 =	vadd.f32 v15, v16  }
0x11: {  	v17 =	vsel vm12, $0x3F800000, v0  }
0x12: {  	vm13 =	veq.s32 v12, $0x10;
	v58 =	vadd.f32 v15, v17  }
0x13: {  	v59 =	vsel vm13, $0x3F800000, v0;
	[tilespmem:s19+$0xFFFFFE90] =	vst v13  }
0x14: {  	[tilespmem:s19+$0xFFFFFF10] =	vst v14;
	v12 =	vadd.f32 v58, v59  }
0x15: {  	[tilespmem:s19+$0xFFFFFF90] =	vst v16  }
0x16: {  	[tilespmem:s19+$0x10] =	vst v17;
	v12 =	vsub.f32 $1.000000000e+00, v12  }
0x17: {  	[tilespmem:s19+$0x90] =	vst v59  }
0x18: {  	[tilespmem:s19+$0x110] =	vst v12  }
0x19: {  	v12 =	vld [tilespmem:s18+$0x20];
	_ =	sdelay $0x4  }
0x1a: {  	vm14 =	veq.s32 v12, $0x6;
	vm15 =	veq.s32 v12, $0x7  }
0x1b: {  	v60 =	vsel vm2, $0x3F800000, v0;
	[tilespmem:s16+$0xFFFFFEA0] =	vst v8;
	v62 =	vsel vm14, $0x3F800000, v0;
	v63 =	vsel vm15, $0x3F800000, v0  }
0x1c: {  	[tilespmem:s16+$0xFFFFFF20] =	vst v7;
	v61 =	vadd.f32 v11, v60;
	vm6 =	veq.s32 v12, $0x8;
	v15 =	vadd.f32 v63, v62  }
0x1d: {  	[tilespmem:s16+$0xFFFFFFA0] =	vst v9;
	v16 =	vsel vm6, $0x3F800000, v0  }
0x1e: {  	[tilespmem:s16+$0x20] =	vst v10;
	v8 =	vsub.f32 $1.000000000e+00, v61;
	vm7 =	veq.s32 v12, $0xF;
	v17 =	vadd.f32 v15, v16  }
0x1f: {  	[tilespmem:s16+$0xA0] =	vst v60;
	v19 =	vsel vm7, $0x3F800000, v0  }
0x20: {  	[tilespmem:s16+$0x120] =	vst v8;
	vm8 =	veq.s32 v12, $0x10;
	v8 =	vadd.f32 v17, v19  }
0x21: {  	v18 =	vld [tilespmem:s17+$0x30];
	v12 =	vsel vm8, $0x3F800000, v0;
	[tilespmem:s19+$0xFFFFFEA0] =	vst v62  }
0x22: {  	[tilespmem:s19+$0xFFFFFF20] =	vst v63;
	v20 =	vadd.f32 v8, v12  }
0x23: {  	[tilespmem:s19+$0xFFFFFFA0] =	vst v16  }
0x24: {  	[tilespmem:s19+$0x20] =	vst v19;
	v7 =	vsub.f32 $1.000000000e+00, v20  }
0x25: {  	[tilespmem:s19+$0xA0] =	vst v12  }
0x26: {  	vm9 =	veq.s32 v18, $0x6;
	vm10 =	veq.s32 v18, $0x7;
	[tilespmem:s19+$0x120] =	vst v7  }
0x27: {  	v21 =	vsel vm9, $0x3F800000, v0;
	v22 =	vsel vm10, $0x3F800000, v0;
	v12 =	vld [tilespmem:s18+$0x30]  }
0x28: {  	vm11 =	veq.s32 v18, $0x8;
	v23 =	vadd.f32 v22, v21  }
0x29: {  	v24 =	vsel vm11, $0x3F800000, v0  }
0x2a: {  	vm12 =	veq.s32 v18, $0xF;
	v11 =	vadd.f32 v23, v24  }
0x2b: {  	vm13 =	veq.s32 v18, $0x10;
	v25 =	vsel vm12, $0x3F800000, v0  }
0x2c: {  	v26 =	vadd.f32 v11, v25;
	vm14 =	veq.s32 v12, $0x6;
	vm15 =	veq.s32 v12, $0x7  }
0x2d: {  	v27 =	vsel vm13, $0x3F800000, v0;
	[tilespmem:s16+$0xFFFFFEB0] =	vst v21;
	v29 =	vsel vm14, $0x3F800000, v0;
	v30 =	vsel vm15, $0x3F800000, v0  }
0x2e: {  	[tilespmem:s16+$0xFFFFFF30] =	vst v22;
	v28 =	vadd.f32 v26, v27;
	vm6 =	veq.s32 v12, $0x8;
	v31 =	vadd.f32 v30, v29  }
0x2f: {  	[tilespmem:s16+$0xFFFFFFB0] =	vst v24;
	v32 =	vsel vm6, $0x3F800000, v0  }
0x30: {  	[tilespmem:s16+$0x30] =	vst v25;
	v8 =	vsub.f32 $1.000000000e+00, v28;
	vm7 =	veq.s32 v12, $0xF;
	v33 =	vadd.f32 v31, v32  }
0x31: {  	[tilespmem:s16+$0xB0] =	vst v27;
	v35 =	vsel vm7, $0x3F800000, v0  }
0x32: {  	[tilespmem:s16+$0x130] =	vst v8;
	vm8 =	veq.s32 v12, $0x10;
	v8 =	vadd.f32 v33, v35  }
0x33: {  	v34 =	vld [tilespmem:s17+$0x40];
	v12 =	vsel vm8, $0x3F800000, v0;
	[tilespmem:s19+$0xFFFFFEB0] =	vst v29  }
0x34: {  	[tilespmem:s19+$0xFFFFFF30] =	vst v30;
	v36 =	vadd.f32 v8, v12  }
0x35: {  	[tilespmem:s19+$0xFFFFFFB0] =	vst v32  }
0x36: {  	[tilespmem:s19+$0x30] =	vst v35;
	v7 =	vsub.f32 $1.000000000e+00, v36  }
0x37: {  	[tilespmem:s19+$0xB0] =	vst v12  }
0x38: {  	vm9 =	veq.s32 v34, $0x6;
	vm10 =	veq.s32 v34, $0x7;
	[tilespmem:s19+$0x130] =	vst v7  }
0x39: {  	v37 =	vsel vm9, $0x3F800000, v0;
	v38 =	vsel vm10, $0x3F800000, v0;
	v12 =	vld [tilespmem:s18+$0x40]  }
0x3a: {  	[tilespmem:s13+$0xFFFFFEF0] =	vst v2;
	vm11 =	veq.s32 v34, $0x8;
	v39 =	vadd.f32 v38, v37  }
0x3b: {  	[tilespmem:s13+$0xFFFFFF70] =	vst v1;
	v40 =	vsel vm11, $0x3F800000, v0  }
0x3c: {  	[tilespmem:s13+$0xFFFFFFF0] =	vst v3;
	vm12 =	veq.s32 v34, $0xF;
	v11 =	vadd.f32 v39, v40  }
0x3d: {  	v49 =	vsel vm1, $0x3F800000, v0;
	[tilespmem:s13+$0x70] =	vst v4;
	vm13 =	veq.s32 v34, $0x10;
	v41 =	vsel vm12, $0x3F800000, v0  }
0x3e: {  	[tilespmem:s14+$0xFFFFFED0] =	vst v49;
	v42 =	vadd.f32 v11, v41;
	vm14 =	veq.s32 v12, $0x6;
	vm15 =	veq.s32 v12, $0x7  }
0x3f: {  	v43 =	vsel vm13, $0x3F800000, v0;
	[tilespmem:s16+$0xFFFFFEC0] =	vst v37;
	v45 =	vsel vm14, $0x3F800000, v0;
	v46 =	vsel vm15, $0x3F800000, v0  }
0x40: {  	[tilespmem:s16+$0xFFFFFF40] =	vst v38;
	v44 =	vadd.f32 v42, v43;
	vm6 =	veq.s32 v12, $0x8;
	v47 =	vadd.f32 v46, v45  }
0x41: {  	[tilespmem:s16+$0xFFFFFFC0] =	vst v40;
	v48 =	vsel vm6, $0x3F800000, v0  }
0x42: {  	[tilespmem:s16+$0x40] =	vst v41;
	v8 =	vsub.f32 $1.000000000e+00, v44;
	vm7 =	veq.s32 v12, $0xF;
	v50 =	vadd.f32 v47, v48  }
0x43: {  	[tilespmem:s16+$0xC0] =	vst v43;
	v52 =	vsel vm7, $0x3F800000, v0  }
0x44: {  	v51 =	vsel vm0, $0x3F800000, v0;
	[tilespmem:s16+$0x140] =	vst v8;
	vm9 =	veq.s32 v12, $0x10;
	v8 =	vadd.f32 v50, v52  }
0x45: {  	v13 =	vadd.f32 v51, v49;
	vm8 =	veq.s32 v6, $0x8;
	v53 =	vld [tilespmem:s17+$0x50];
	v55 =	vsel vm9, $0x3F800000, v0;
	[tilespmem:s19+$0xFFFFFEC0] =	vst v45  }
0x46: {  	v54 =	vsel vm8, $0x3F800000, v0;
	[tilespmem:s19+$0xFFFFFF40] =	vst v46;
	v8 =	vadd.f32 v8, v55  }
0x47: {  	vm10 =	veq.s32 v6, $0xF;
	v13 =	vadd.f32 v13, v54;
	[tilespmem:s19+$0xFFFFFFC0] =	vst v48  }
0x48: {  	v56 =	vsel vm10, $0x3F800000, v0;
	[tilespmem:s19+$0x40] =	vst v52;
	v8 =	vsub.f32 $1.000000000e+00, v8  }
0x49: {  	vm11 =	veq.s32 v6, $0x10;
	v57 =	vadd.f32 v13, v56;
	[tilespmem:s19+$0xC0] =	vst v55  }
0x4a: {  	v58 =	vsel vm11, $0x3F800000, v0;
	vm12 =	veq.s32 v53, $0x6;
	vm13 =	veq.s32 v53, $0x7;
	[tilespmem:s19+$0x140] =	vst v8  }
0x4b: {  	[tilespmem:s14+$0xFFFFFF50] =	vst v51;
	v6 =	vadd.f32 v57, v58;
	v59 =	vsel vm12, $0x3F800000, v0;
	v60 =	vsel vm13, $0x3F800000, v0;
	v62 =	vld [tilespmem:s18+$0x50]  }
0x4c: {  	[tilespmem:s14+$0x50] =	vst v56;
	v61 =	vadd.f32 v60, v59;
	vm14 =	veq.s32 v53, $0x8  }
0x4d: {  	[tilespmem:s14+$0xD0] =	vst v58;
	v6 =	vsub.f32 $1.000000000e+00, v6;
	v63 =	vsel vm14, $0x3F800000, v0  }
0x4e: {  	[tilespmem:s14+$0xFFFFFFD0] =	vst v54;
	vm15 =	veq.s32 v53, $0xF;
	v8 =	vadd.f32 v61, v63  }
0x4f: {  	[tilespmem:s14+$0x150] =	vst v6;
	vm4 =	veq.s32 v53, $0x10;
	v16 =	vsel vm15, $0x3F800000, v0  }
0x50: {  	[tilespmem:s13+$0xF0] =	vst v5;
	v11 =	vld [tilespmem:s15+$0x60];
	v8 =	vadd.f32 v8, v16;
	vm5 =	veq.s32 v62, $0x6;
	vm6 =	veq.s32 v62, $0x7  }
0x51: {  	v10 =	vsel vm4, $0x3F800000, v0;
	[tilespmem:s16+$0xFFFFFED0] =	vst v59;
	v17 =	vsel vm5, $0x3F800000, v0;
	v18 =	vsel vm6, $0x3F800000, v0  }
0x52: {  	[tilespmem:s16+$0xFFFFFF50] =	vst v60;
	v8 =	vadd.f32 v8, v10;
	vm7 =	veq.s32 v62, $0x8;
	v19 =	vadd.f32 v18, v17  }
0x53: {  	[tilespmem:s16+$0xD0] =	vst v10;
	v20 =	vsel vm7, $0x3F800000, v0  }
0x54: {  	[tilespmem:s16+$0xFFFFFFD0] =	vst v63;
	v8 =	vsub.f32 $1.000000000e+00, v8;
	vm9 =	veq.s32 v62, $0xF;
	v7 =	vadd.f32 v19, v20  }
0x55: {  	vm8 =	veq.s32 v11, $0x6;
	[tilespmem:s16+$0x50] =	vst v16;
	v22 =	vsel vm9, $0x3F800000, v0  }
0x56: {  	vm10 =	veq.s32 v11, $0x7;
	vm11 =	veq.s32 v62, $0x10;
	[tilespmem:s16+$0x150] =	vst v8;
	v7 =	vadd.f32 v7, v22  }
0x57: {  	v21 =	vsel vm8, $0x3F800000, v0;
	v23 =	vsel vm10, $0x3F800000, v0;
	v12 =	vsel vm11, $0x3F800000, v0;
	[tilespmem:s19+$0xFFFFFED0] =	vst v17;
	v24 =	vld [tilespmem:s17+$0x60]  }
0x58: {  	vm12 =	veq.s32 v11, $0x8;
	v10 =	vadd.f32 v23, v21;
	[tilespmem:s19+$0xFFFFFF50] =	vst v18;
	v7 =	vadd.f32 v7, v12  }
0x59: {  	v25 =	vsel vm12, $0x3F800000, v0;
	[tilespmem:s19+$0xFFFFFFD0] =	vst v20  }
0x5a: {  	vm13 =	veq.s32 v11, $0xF;
	v10 =	vadd.f32 v10, v25;
	[tilespmem:s19+$0x50] =	vst v22;
	v7 =	vsub.f32 $1.000000000e+00, v7  }
0x5b: {  	v26 =	vsel vm13, $0x3F800000, v0;
	vm14 =	veq.s32 v11, $0x10;
	[tilespmem:s19+$0xD0] =	vst v12  }
0x5c: {  	v27 =	vadd.f32 v10, v26;
	vm15 =	veq.s32 v24, $0x6;
	vm4 =	veq.s32 v24, $0x7;
	[tilespmem:s19+$0x150] =	vst v7  }
0x5d: {  	[tilespmem:s14+$0xFFFFFEE0] =	vst v21;
	v28 =	vsel vm14, $0x3F800000, v0;
	v30 =	vsel vm15, $0x3F800000, v0;
	v31 =	vsel vm4, $0x3F800000, v0;
	v12 =	vld [tilespmem:s18+$0x60]  }
0x5e: {  	[tilespmem:s14+$0xFFFFFF60] =	vst v23;
	v29 =	vadd.f32 v27, v28;
	vm5 =	veq.s32 v24, $0x8;
	v32 =	vadd.f32 v31, v30  }
0x5f: {  	[tilespmem:s14+$0xFFFFFFE0] =	vst v25;
	v33 =	vsel vm5, $0x3F800000, v0  }
0x60: {  	[tilespmem:s14+$0x60] =	vst v26;
	vm6 =	veq.s32 v24, $0xF;
	v7 =	vsub.f32 $1.000000000e+00, v29;
	v34 =	vadd.f32 v32, v33  }
0x61: {  	[tilespmem:s14+$0xE0] =	vst v28;
	vm7 =	veq.s32 v24, $0x10;
	v35 =	vsel vm6, $0x3F800000, v0  }
0x62: {  	[tilespmem:s14+$0x160] =	vst v7;
	v10 =	vadd.f32 v34, v35;
	vm8 =	veq.s32 v12, $0x6;
	vm9 =	veq.s32 v12, $0x7  }
0x63: {  	v37 =	vsel vm7, $0x3F800000, v0;
	[tilespmem:s16+$0xFFFFFEE0] =	vst v30;
	v36 =	vld [tilespmem:s15+$0x70];
	v38 =	vsel vm8, $0x3F800000, v0;
	v39 =	vsel vm9, $0x3F800000, v0  }
0x64: {  	[tilespmem:s16+$0xFFFFFF60] =	vst v31;
	v10 =	vadd.f32 v10, v37;
	vm10 =	veq.s32 v12, $0x8;
	v40 =	vadd.f32 v39, v38  }
0x65: {  	[tilespmem:s16+$0xFFFFFFE0] =	vst v33;
	v41 =	vsel vm10, $0x3F800000, v0  }
0x66: {  	[tilespmem:s16+$0x60] =	vst v35;
	v10 =	vsub.f32 $1.000000000e+00, v10;
	vm11 =	veq.s32 v12, $0xF;
	v42 =	vadd.f32 v40, v41  }
0x67: {  	[tilespmem:s16+$0xE0] =	vst v37;
	vm14 =	veq.s32 v12, $0x10;
	v43 =	vsel vm11, $0x3F800000, v0  }
0x68: {  	vm12 =	veq.s32 v36, $0x6;
	vm13 =	veq.s32 v36, $0x7;
	[tilespmem:s16+$0x160] =	vst v10;
	v7 =	vadd.f32 v42, v43  }
0x69: {  	v46 =	vsel vm14, $0x3F800000, v0;
	[tilespmem:s19+$0xFFFFFEE0] =	vst v38;
	v44 =	vsel vm12, $0x3F800000, v0;
	v45 =	vsel vm13, $0x3F800000, v0;
	v13 =	vld [tilespmem:s17+$0x70]  }
0x6a: {  	vm15 =	veq.s32 v36, $0x8;
	[tilespmem:s19+$0xFFFFFF60] =	vst v39;
	v47 =	vadd.f32 v45, v44;
	v7 =	vadd.f32 v7, v46  }
0x6b: {  	[tilespmem:s19+$0xFFFFFFE0] =	vst v41;
	v48 =	vsel vm15, $0x3F800000, v0  }
0x6c: {  	vm4 =	veq.s32 v36, $0xF;
	[tilespmem:s19+$0x60] =	vst v43;
	v14 =	vadd.f32 v47, v48;
	v7 =	vsub.f32 $1.000000000e+00, v7  }
0x6d: {  	vm5 =	veq.s32 v36, $0x10;
	[tilespmem:s19+$0xE0] =	vst v46;
	v49 =	vsel vm4, $0x3F800000, v0  }
0x6e: {  	v50 =	vadd.f32 v14, v49;
	vm6 =	veq.s32 v13, $0x6;
	vm7 =	veq.s32 v13, $0x7;
	[tilespmem:s19+$0x160] =	vst v7  }
0x6f: {  	v2 =	vsel vm5, $0x3F800000, v0;
	[tilespmem:s14+$0xFFFFFEF0] =	vst v44;
	v51 =	vsel vm6, $0x3F800000, v0;
	v52 =	vsel vm7, $0x3F800000, v0;
	v53 =	vld [tilespmem:s18+$0x70]  }
0x70: {  	[tilespmem:s14+$0xFFFFFF70] =	vst v45;
	vm8 =	veq.s32 v13, $0x8;
	v1 =	vadd.f32 v50, v2;
	v54 =	vadd.f32 v52, v51  }
0x71: {  	[tilespmem:s14+$0xFFFFFFF0] =	vst v48;
	v3 =	vsel vm8, $0x3F800000, v0  }
0x72: {  	[tilespmem:s14+$0x70] =	vst v49;
	vm9 =	veq.s32 v13, $0xF;
	v1 =	vsub.f32 $1.000000000e+00, v1;
	v55 =	vadd.f32 v54, v3  }
0x73: {  	[tilespmem:s14+$0xF0] =	vst v2;
	vm10 =	veq.s32 v13, $0x10;
	v56 =	vsel vm9, $0x3F800000, v0  }
0x74: {  	[tilespmem:s14+$0x170] =	vst v1;
	v1 =	vadd.f32 v55, v56;
	vm11 =	veq.s32 v53, $0x6;
	vm12 =	veq.s32 v53, $0x7  }
0x75: {  	v57 =	vsel vm10, $0x3F800000, v0;
	[tilespmem:s16+$0xFFFFFEF0] =	vst v51;
	v58 =	vsel vm11, $0x3F800000, v0;
	v59 =	vsel vm12, $0x3F800000, v0  }
0x76: {  	[tilespmem:s16+$0xFFFFFF70] =	vst v52;
	v1 =	vadd.f32 v1, v57;
	vm13 =	veq.s32 v53, $0x8;
	v60 =	vadd.f32 v59, v58  }
0x77: {  	[tilespmem:s16+$0xFFFFFFF0] =	vst v3;
	v61 =	vsel vm13, $0x3F800000, v0  }
0x78: {  	[tilespmem:s16+$0x70] =	vst v56;
	v1 =	vsub.f32 $1.000000000e+00, v1;
	vm14 =	veq.s32 v53, $0xF;
	v62 =	vadd.f32 v60, v61  }
0x79: {  	[tilespmem:s16+$0xF0] =	vst v57;
	v2 =	vsel vm14, $0x3F800000, v0  }
0x7a: {  	vm15 =	veq.s32 v53, $0x10;
	[tilespmem:s16+$0x170] =	vst v1;
	v1 =	vadd.f32 v62, v2  }
0x7b: {  	v63 =	vsel vm15, $0x3F800000, v0;
	[tilespmem:s19+$0xFFFFFEF0] =	vst v58  }
0x7c: {  	[tilespmem:s19+$0xFFFFFF70] =	vst v59;
	v1 =	vadd.f32 v1, v63  }
0x7d: {  	[tilespmem:s19+$0xFFFFFFF0] =	vst v61  }
0x7e: {  	[tilespmem:s19+$0x70] =	vst v2;
	v1 =	vsub.f32 $1.000000000e+00, v1  }
0x7f: {  	[tilespmem:s19+$0xF0] =	vst v63  }
0x80: {  	[tilespmem:s19+$0x170] =	vst v1  }
0x81: {  	[hbm4b:s7+s2] =	stream.linear.scatter [tilespmem:s10], [sflag:$0x2], $0x1C00, $0x38;
	[tilespmem:$0x7080] =	vst v63  }
0x82: {  	_ =	swait.ge [sflag:s9], $0x1C00  }
0x83: {  	[sflag:s9] =	ssyncset.done $0x0  }
0x84: {  	[sflag:s9] =	ssyncadd.s32 $0xFFFFE400  }
.LBB2_10:
0x85: {  	s12 =	sadd.s32 $0x1, s12  }
0x86: {  	p1 =	sne.s32 s12, s8  }
.Ltmp1:
0x87: {  	_ = 	snop;
	(pc) =	sbr.rel @!p1 .LBB2_11-.Ltmp1, $1  }
0x88: {  	_ =	sdelay $0x3  }
.LBB2_1:
.Ltmp2:
0x89: {  	(pc) =	sbr.rel @!p0 .LBB2_2-.Ltmp2, $2  }
0x8a: {  	_ =	sdelay $0x2  }
0x8b: {  	s13 =	simm.s32 $0x0  }
0x8c: {  	[tilespmem:s13], [sflag:$0x2] =	stream.linear.gather [hbm4b:s6+s13], $0x320, $0x38;
	[tilespmem:$0x7080] =	vst v63  }
0x8d: {  	_ =	swait.ge [sflag:s9], $0x320  }
0x8e: {  	[sflag:s9] =	ssyncset.done $0x0  }
0x8f: {  	s19 =	simm.s32 $0x0;
	[sflag:s9] =	ssyncadd.s32 $0xFFFFFCE0  }
0x90: {  	v1 =	vld [tilespmem:s19+$0x0];
	_ =	sdelay $0x4  }
0x91: {  	vm0 =	veq.s32 v1, $0x6;
	vm1 =	veq.s32 v1, $0x7  }
0x92: {  	v2 =	vsel vm0, $0x3F800000, v0;
	v3 =	vsel vm1, $0x3F800000, v0  }
0x93: {  	vm0 =	veq.s32 v1, $0x8;
	v4 =	vadd.f32 v3, v2  }
0x94: {  	v5 =	vsel vm0, $0x3F800000, v0  }
0x95: {  	vm0 =	veq.s32 v1, $0xF;
	v4 =	vadd.f32 v4, v5  }
0x96: {  	v6 =	vsel vm0, $0x3F800000, v0  }
0x97: {  	s13 =	simm.s32 $0xE00;
	vm0 =	veq.s32 v1, $0x10;
	v1 =	vadd.f32 v4, v6  }
0x98: {  	[tilespmem:s13+$0xFFFFFE80] =	vst v2;
	v2 =	vsel vm0, $0x3F800000, v0  }
0x99: {  	[tilespmem:s13+$0xFFFFFF00] =	vst v3;
	v1 =	vadd.f32 v1, v2  }
0x9a: {  	[tilespmem:s13+$0xFFFFFF80] =	vst v5  }
0x9b: {  	[tilespmem:s13+$0x0] =	vst v6;
	v1 =	vsub.f32 $1.000000000e+00, v1  }
0x9c: {  	[tilespmem:s13+$0x80] =	vst v2  }
0x9d: {  	[tilespmem:s13+$0x100] =	vst v1  }
0x9e: {  	v1 =	vld [tilespmem:s19+$0x10];
	_ =	sdelay $0x4  }
0x9f: {  	vm0 =	veq.s32 v1, $0x6;
	vm1 =	veq.s32 v1, $0x7  }
0xa0: {  	v2 =	vsel vm0, $0x3F800000, v0;
	v3 =	vsel vm1, $0x3F800000, v0  }
0xa1: {  	vm0 =	veq.s32 v1, $0x8;
	v4 =	vadd.f32 v3, v2  }
0xa2: {  	v5 =	vsel vm0, $0x3F800000, v0  }
0xa3: {  	vm0 =	veq.s32 v1, $0xF;
	v4 =	vadd.f32 v4, v5  }
0xa4: {  	v6 =	vsel vm0, $0x3F800000, v0  }
0xa5: {  	vm0 =	veq.s32 v1, $0x10;
	v1 =	vadd.f32 v4, v6  }
0xa6: {  	[tilespmem:s13+$0xFFFFFE90] =	vst v2;
	v2 =	vsel vm0, $0x3F800000, v0  }
0xa7: {  	[tilespmem:s13+$0xFFFFFF10] =	vst v3;
	v1 =	vadd.f32 v1, v2  }
0xa8: {  	[tilespmem:s13+$0xFFFFFF90] =	vst v5  }
0xa9: {  	[tilespmem:s13+$0x10] =	vst v6;
	v1 =	vsub.f32 $1.000000000e+00, v1  }
0xaa: {  	[tilespmem:s13+$0x90] =	vst v2  }
0xab: {  	[tilespmem:s13+$0x110] =	vst v1  }
0xac: {  	v1 =	vld [tilespmem:s19+$0x20];
	_ =	sdelay $0x4  }
0xad: {  	vm0 =	veq.s32 v1, $0x6;
	vm1 =	veq.s32 v1, $0x7  }
0xae: {  	v2 =	vsel vm0, $0x3F800000, v0;
	v3 =	vsel vm1, $0x3F800000, v0  }
0xaf: {  	vm0 =	veq.s32 v1, $0x8;
	v4 =	vadd.f32 v3, v2  }
0xb0: {  	v5 =	vsel vm0, $0x3F800000, v0  }
0xb1: {  	vm0 =	veq.s32 v1, $0xF;
	v4 =	vadd.f32 v4, v5  }
0xb2: {  	v6 =	vsel vm0, $0x3F800000, v0  }
0xb3: {  	s15 =	simm.s32 $0x80;
	vm0 =	veq.s32 v1, $0x10;
	v1 =	vadd.f32 v4, v6  }
0xb4: {  	[tilespmem:s13+$0xFFFFFEA0] =	vst v2;
	v7 =	vsel vm0, $0x3F800000, v0;
	v4 =	vld [tilespmem:s15+$0x0]  }
0xb5: {  	[tilespmem:s13+$0xFFFFFF20] =	vst v3;
	v1 =	vadd.f32 v1, v7  }
0xb6: {  	[tilespmem:s13+$0xFFFFFFA0] =	vst v5  }
0xb7: {  	[tilespmem:s13+$0x20] =	vst v6;
	v1 =	vsub.f32 $1.000000000e+00, v1  }
0xb8: {  	[tilespmem:s13+$0xA0] =	vst v7  }
0xb9: {  	vm0 =	veq.s32 v4, $0x6;
	vm1 =	veq.s32 v4, $0x7;
	[tilespmem:s13+$0x120] =	vst v1  }
0xba: {  	v1 =	vsel vm0, $0x3F800000, v0;
	v2 =	vsel vm1, $0x3F800000, v0;
	v3 =	vld [tilespmem:s19+$0x30]  }
0xbb: {  	vm0 =	veq.s32 v4, $0x8;
	v5 =	vadd.f32 v2, v1  }
0xbc: {  	v6 =	vsel vm0, $0x3F800000, v0  }
0xbd: {  	vm0 =	veq.s32 v4, $0xF;
	v5 =	vadd.f32 v5, v6  }
0xbe: {  	vm1 =	veq.s32 v4, $0x10;
	v4 =	vsel vm0, $0x3F800000, v0  }
0xbf: {  	s14 =	simm.s32 $0x1200;
	v5 =	vadd.f32 v5, v4;
	vm0 =	veq.s32 v3, $0x6;
	vm2 =	veq.s32 v3, $0x7  }
0xc0: {  	[tilespmem:s14+$0xFFFFFE80] =	vst v1;
	v1 =	vsel vm1, $0x3F800000, v0;
	v7 =	vsel vm0, $0x3F800000, v0;
	v8 =	vsel vm2, $0x3F800000, v0  }
0xc1: {  	[tilespmem:s14+$0xFFFFFF00] =	vst v2;
	v5 =	vadd.f32 v5, v1;
	vm0 =	veq.s32 v3, $0x8;
	v2 =	vadd.f32 v8, v7  }
0xc2: {  	[tilespmem:s14+$0xFFFFFF80] =	vst v6;
	v6 =	vsel vm0, $0x3F800000, v0  }
0xc3: {  	[tilespmem:s14+$0x80] =	vst v1;
	vm0 =	veq.s32 v3, $0xF;
	v5 =	vsub.f32 $1.000000000e+00, v5;
	v2 =	vadd.f32 v2, v6  }
0xc4: {  	[tilespmem:s14+$0x0] =	vst v4;
	v1 =	vsel vm0, $0x3F800000, v0  }
0xc5: {  	vm0 =	veq.s32 v3, $0x10;
	[tilespmem:s14+$0x100] =	vst v5;
	v2 =	vadd.f32 v2, v1  }
0xc6: {  	[tilespmem:s13+$0xFFFFFEB0] =	vst v7;
	v4 =	vsel vm0, $0x3F800000, v0;
	v3 =	vld [tilespmem:s15+$0x10]  }
0xc7: {  	[tilespmem:s13+$0xFFFFFF30] =	vst v8;
	v2 =	vadd.f32 v2, v4  }
0xc8: {  	[tilespmem:s13+$0xFFFFFFB0] =	vst v6  }
0xc9: {  	[tilespmem:s13+$0x30] =	vst v1;
	v2 =	vsub.f32 $1.000000000e+00, v2  }
0xca: {  	[tilespmem:s13+$0xB0] =	vst v4  }
0xcb: {  	vm0 =	veq.s32 v3, $0x6;
	vm1 =	veq.s32 v3, $0x7;
	[tilespmem:s13+$0x130] =	vst v2  }
0xcc: {  	v1 =	vsel vm0, $0x3F800000, v0;
	v2 =	vsel vm1, $0x3F800000, v0;
	v4 =	vld [tilespmem:s19+$0x40]  }
0xcd: {  	vm0 =	veq.s32 v3, $0x8;
	v5 =	vadd.f32 v2, v1  }
0xce: {  	v6 =	vsel vm0, $0x3F800000, v0  }
0xcf: {  	vm0 =	veq.s32 v3, $0xF;
	v5 =	vadd.f32 v5, v6  }
0xd0: {  	v7 =	vsel vm0, $0x3F800000, v0;
	vm0 =	veq.s32 v3, $0x10  }
0xd1: {  	v5 =	vadd.f32 v5, v7;
	vm1 =	veq.s32 v4, $0x6;
	vm2 =	veq.s32 v4, $0x7  }
0xd2: {  	s17 =	simm.s32 $0x100;
	[tilespmem:s14+$0xFFFFFE90] =	vst v1;
	v1 =	vsel vm0, $0x3F800000, v0;
	v8 =	vsel vm1, $0x3F800000, v0;
	v9 =	vsel vm2, $0x3F800000, v0  }
0xd3: {  	[tilespmem:s14+$0xFFFFFF10] =	vst v2;
	v3 =	vld [tilespmem:s17+$0x0];
	vm0 =	veq.s32 v4, $0x8;
	v5 =	vadd.f32 v5, v1;
	v2 =	vadd.f32 v9, v8  }
0xd4: {  	[tilespmem:s14+$0xFFFFFF90] =	vst v6;
	v6 =	vsel vm0, $0x3F800000, v0  }
0xd5: {  	[tilespmem:s14+$0x10] =	vst v7;
	vm0 =	veq.s32 v4, $0xF;
	v5 =	vsub.f32 $1.000000000e+00, v5;
	v2 =	vadd.f32 v2, v6  }
0xd6: {  	[tilespmem:s14+$0x90] =	vst v1;
	v1 =	vsel vm0, $0x3F800000, v0  }
0xd7: {  	vm2 =	veq.s32 v4, $0x10;
	[tilespmem:s14+$0x110] =	vst v5;
	v2 =	vadd.f32 v2, v1  }
0xd8: {  	vm1 =	veq.s32 v3, $0x6;
	vm0 =	veq.s32 v3, $0x7;
	v10 =	vsel vm2, $0x3F800000, v0;
	[tilespmem:s13+$0xFFFFFEC0] =	vst v8;
	v7 =	vld [tilespmem:s15+$0x20]  }
0xd9: {  	v4 =	vsel vm1, $0x3F800000, v0;
	[tilespmem:s13+$0xFFFFFF40] =	vst v9;
	v5 =	vsel vm0, $0x3F800000, v0;
	v2 =	vadd.f32 v2, v10  }
0xda: {  	[tilespmem:s13+$0xFFFFFFC0] =	vst v6;
	vm0 =	veq.s32 v3, $0x8;
	v8 =	vadd.f32 v5, v4  }
0xdb: {  	[tilespmem:s13+$0x40] =	vst v1;
	v9 =	vsel vm0, $0x3F800000, v0;
	v2 =	vsub.f32 $1.000000000e+00, v2  }
0xdc: {  	vm1 =	veq.s32 v3, $0x10;
	[tilespmem:s13+$0xC0] =	vst v10;
	vm0 =	veq.s32 v3, $0xF;
	v6 =	vadd.f32 v8, v9  }
0xdd: {  	s16 =	simm.s32 $0x1600;
	v1 =	vsel vm0, $0x3F800000, v0;
	vm0 =	veq.s32 v7, $0x6;
	vm2 =	veq.s32 v7, $0x7;
	[tilespmem:s13+$0x140] =	vst v2  }
0xde: {  	[tilespmem:s16+$0xFFFFFE80] =	vst v4;
	v3 =	vadd.f32 v6, v1;
	v4 =	vsel vm0, $0x3F800000, v0;
	v6 =	vsel vm2, $0x3F800000, v0;
	v8 =	vld [tilespmem:s19+$0x50]  }
0xdf: {  	[tilespmem:s16+$0xFFFFFF00] =	vst v5;
	v2 =	vsel vm1, $0x3F800000, v0;
	vm0 =	veq.s32 v7, $0x8;
	v5 =	vadd.f32 v6, v4  }
0xe0: {  	[tilespmem:s16+$0xFFFFFF80] =	vst v9;
	v3 =	vadd.f32 v3, v2;
	v9 =	vsel vm0, $0x3F800000, v0  }
0xe1: {  	[tilespmem:s16+$0x0] =	vst v1;
	vm0 =	veq.s32 v7, $0xF;
	v1 =	vadd.f32 v5, v9  }
0xe2: {  	[tilespmem:s16+$0x80] =	vst v2;
	v2 =	vsel vm0, $0x3F800000, v0;
	vm0 =	veq.s32 v7, $0x10;
	v3 =	vsub.f32 $1.000000000e+00, v3  }
0xe3: {  	[tilespmem:s14+$0xFFFFFEA0] =	vst v4;
	v1 =	vadd.f32 v1, v2;
	vm1 =	veq.s32 v8, $0x6;
	vm2 =	veq.s32 v8, $0x7  }
0xe4: {  	[tilespmem:s16+$0x100] =	vst v3;
	v3 =	vsel vm0, $0x3F800000, v0;
	v4 =	vsel vm1, $0x3F800000, v0;
	v5 =	vsel vm2, $0x3F800000, v0  }
0xe5: {  	[tilespmem:s14+$0xFFFFFF20] =	vst v6;
	vm0 =	veq.s32 v8, $0x8;
	v1 =	vadd.f32 v1, v3;
	v6 =	vadd.f32 v5, v4  }
0xe6: {  	[tilespmem:s14+$0xFFFFFFA0] =	vst v9;
	v7 =	vsel vm0, $0x3F800000, v0  }
0xe7: {  	[tilespmem:s14+$0x20] =	vst v2;
	vm0 =	veq.s32 v8, $0xF;
	v1 =	vsub.f32 $1.000000000e+00, v1;
	v2 =	vadd.f32 v6, v7  }
0xe8: {  	[tilespmem:s14+$0xA0] =	vst v3;
	v3 =	vsel vm0, $0x3F800000, v0  }
0xe9: {  	vm0 =	veq.s32 v8, $0x10;
	[tilespmem:s14+$0x120] =	vst v1;
	v1 =	vadd.f32 v2, v3  }
0xea: {  	[tilespmem:s13+$0xFFFFFED0] =	vst v4;
	v6 =	vsel vm0, $0x3F800000, v0;
	v2 =	vld [tilespmem:s15+$0x30]  }
0xeb: {  	[tilespmem:s13+$0xFFFFFF50] =	vst v5;
	v1 =	vadd.f32 v1, v6  }
0xec: {  	[tilespmem:s13+$0xFFFFFFD0] =	vst v7  }
0xed: {  	[tilespmem:s13+$0x50] =	vst v3;
	v1 =	vsub.f32 $1.000000000e+00, v1  }
0xee: {  	[tilespmem:s13+$0xD0] =	vst v6;
	v3 =	vld [tilespmem:s17+$0x10]  }
0xef: {  	vm0 =	veq.s32 v2, $0x6;
	vm1 =	veq.s32 v2, $0x7;
	[tilespmem:s13+$0x150] =	vst v1  }
0xf0: {  	v1 =	vsel vm0, $0x3F800000, v0;
	v4 =	vsel vm1, $0x3F800000, v0;
	v5 =	vld [tilespmem:s19+$0x60]  }
0xf1: {  	vm0 =	veq.s32 v2, $0x8;
	v6 =	vadd.f32 v4, v1  }
0xf2: {  	s18 =	simm.s32 $0x180;
	v7 =	vsel vm0, $0x3F800000, v0  }
0xf3: {  	v8 =	vld [tilespmem:s18+$0x0];
	vm1 =	veq.s32 v2, $0xF;
	vm0 =	veq.s32 v3, $0x6;
	v6 =	vadd.f32 v6, v7  }
0xf4: {  	v10 =	vsel vm1, $0x3F800000, v0;
	v9 =	vsel vm0, $0x3F800000, v0;
	vm0 =	veq.s32 v2, $0x10  }
0xf5: {  	[tilespmem:s14+$0xFFFFFEB0] =	vst v1;
	v2 =	vadd.f32 v6, v10;
	vm1 =	veq.s32 v5, $0x6;
	vm2 =	veq.s32 v5, $0x7  }
0xf6: {  	[tilespmem:s14+$0xFFFFFF30] =	vst v4;
	v6 =	vsel vm0, $0x3F800000, v0;
	v1 =	vsel vm1, $0x3F800000, v0;
	v11 =	vsel vm2, $0x3F800000, v0  }
0xf7: {  	[tilespmem:s14+$0xFFFFFFB0] =	vst v7;
	v2 =	vadd.f32 v2, v6;
	vm1 =	veq.s32 v5, $0x8;
	v4 =	vadd.f32 v11, v1  }
0xf8: {  	vm15 =	veq.s32 v8, $0x7;
	vm4 =	veq.s32 v3, $0x7;
	[tilespmem:s14+$0x30] =	vst v10;
	v7 =	vsel vm1, $0x3F800000, v0  }
0xf9: {  	[tilespmem:s16+$0xFFFFFE90] =	vst v9;
	vm3 =	veq.s32 v5, $0xF;
	v2 =	vsub.f32 $1.000000000e+00, v2;
	v4 =	vadd.f32 v4, v7  }
0xfa: {  	vm14 =	veq.s32 v3, $0x8;
	vm5 =	veq.s32 v3, $0xF;
	[tilespmem:s14+$0xB0] =	vst v6;
	v6 =	vsel vm3, $0x3F800000, v0  }
0xfb: {  	v10 =	vsel vm4, $0x3F800000, v0;
	vm3 =	veq.s32 v5, $0x10;
	[tilespmem:s14+$0x130] =	vst v2;
	v2 =	vadd.f32 v4, v6  }
0xfc: {  	vm0 =	veq.s32 v8, $0x10;
	[tilespmem:s13+$0xFFFFFEE0] =	vst v1;
	v4 =	vadd.f32 v10, v9;
	v5 =	vld [tilespmem:s15+$0x40];
	v9 =	vsel vm3, $0x3F800000, v0  }
0xfd: {  	vm2 =	veq.s32 v8, $0xF;
	v1 =	vsel vm14, $0x3F800000, v0;
	[tilespmem:s13+$0xFFFFFF60] =	vst v11;
	v2 =	vadd.f32 v2, v9  }
0xfe: {  	vm1 =	veq.s32 v8, $0x8;
	v11 =	vsel vm2, $0x3F800000, v0;
	[tilespmem:s13+$0x60] =	vst v6;
	v4 =	vadd.f32 v4, v1  }
0xff: {  	[tilespmem:s13+$0xFFFFFFE0] =	vst v7;
	v7 =	vsel vm5, $0x3F800000, v0;
	vm3 =	veq.s32 v8, $0x6;
	v2 =	vsub.f32 $1.000000000e+00, v2  }
0x100: {  	vm2 =	veq.s32 v3, $0x10;
	v6 =	vsel vm3, $0x3F800000, v0;
	[tilespmem:s13+$0xE0] =	vst v9;
	v3 =	vadd.f32 v4, v7  }
0x101: {  	v4 =	vsel vm2, $0x3F800000, v0;
	vm2 =	veq.s32 v5, $0x6;
	vm3 =	veq.s32 v5, $0x7;
	[tilespmem:s13+$0x160] =	vst v2  }
0x102: {  	[tilespmem:s16+$0xFFFFFF10] =	vst v10;
	v2 =	vadd.f32 v3, v4;
	v3 =	vsel vm2, $0x3F800000, v0;
	v8 =	vsel vm3, $0x3F800000, v0;
	v9 =	vld [tilespmem:s19+$0x70]  }
0x103: {  	[tilespmem:s16+$0xFFFFFF90] =	vst v1;
	v10 =	vsel vm15, $0x3F800000, v0;
	vm2 =	veq.s32 v5, $0x8;
	v1 =	vadd.f32 v8, v3  }
0x104: {  	v13 =	vsel vm1, $0x3F800000, v0;
	[tilespmem:s16+$0x10] =	vst v7;
	v12 =	vadd.f32 v10, v6;
	v7 =	vsel vm2, $0x3F800000, v0  }
0x105: {  	[tilespmem:s16+$0x90] =	vst v4;
	vm1 =	veq.s32 v5, $0xF;
	v2 =	vsub.f32 $1.000000000e+00, v2;
	v1 =	vadd.f32 v1, v7  }
0x106: {  	v4 =	vadd.f32 v12, v13;
	v61 =	vsel vm1, $0x3F800000, v0;
	vm1 =	veq.s32 v5, $0x10;
	[tilespmem:s14+$0xFFFFFEC0] =	vst v3  }
0x107: {  	s19 =	simm.s32 $0x1A00;
	[tilespmem:s16+$0x110] =	vst v2;
	v5 =	vadd.f32 v1, v61;
	vm2 =	veq.s32 v9, $0x6;
	vm3 =	veq.s32 v9, $0x7  }
0x108: {  	[tilespmem:s19+$0xFFFFFE80] =	vst v6;
	v6 =	vsel vm1, $0x3F800000, v0;
	v14 =	vld [tilespmem:s17+$0x20];
	v2 =	vsel vm2, $0x3F800000, v0;
	v1 =	vsel vm3, $0x3F800000, v0  }
0x109: {  	[tilespmem:s14+$0xFFFFFF40] =	vst v8;
	vm1 =	veq.s32 v9, $0x8;
	v5 =	vadd.f32 v5, v6;
	v8 =	vadd.f32 v1, v2  }
0x10a: {  	v15 =	vsel vm0, $0x3F800000, v0;
	[tilespmem:s14+$0x40] =	vst v61;
	v4 =	vadd.f32 v4, v11;
	v3 =	vsel vm1, $0x3F800000, v0  }
0x10b: {  	[tilespmem:s14+$0xFFFFFFC0] =	vst v7;
	vm0 =	veq.s32 v9, $0xF;
	v5 =	vsub.f32 $1.000000000e+00, v5;
	v7 =	vadd.f32 v8, v3  }
0x10c: {  	[tilespmem:s14+$0xC0] =	vst v6;
	v62 =	vadd.f32 v4, v15;
	v4 =	vsel vm0, $0x3F800000, v0;
	vm2 =	veq.s32 v9, $0x10  }
0x10d: {  	vm1 =	veq.s32 v14, $0x6;
	vm0 =	veq.s32 v14, $0x7;
	[tilespmem:s14+$0x140] =	vst v5;
	v9 =	vadd.f32 v7, v4  }
0x10e: {  	[tilespmem:s19+$0xFFFFFF00] =	vst v10;
	v8 =	vsel vm1, $0x3F800000, v0;
	v5 =	vsel vm2, $0x3F800000, v0;
	v7 =	vsel vm0, $0x3F800000, v0;
	v6 =	vld [tilespmem:s15+$0x50]  }
0x10f: {  	[tilespmem:s19+$0xFFFFFF80] =	vst v13;
	vm0 =	veq.s32 v14, $0x8;
	v10 =	vadd.f32 v7, v8;
	v63 =	vadd.f32 v9, v5  }
0x110: {  	[tilespmem:s19+$0x0] =	vst v11;
	v12 =	vsub.f32 $1.000000000e+00, v62;
	v9 =	vsel vm0, $0x3F800000, v0  }
0x111: {  	[tilespmem:s19+$0x80] =	vst v15;
	vm0 =	veq.s32 v14, $0xF;
	v11 =	vadd.f32 v10, v9;
	v13 =	vsub.f32 $1.000000000e+00, v63  }
0x112: {  	[tilespmem:s19+$0x100] =	vst v12;
	vm2 =	veq.s32 v14, $0x10;
	v10 =	vsel vm0, $0x3F800000, v0  }
0x113: {  	s20 =	simm.s32 $0x800;
	v11 =	vadd.f32 v11, v10;
	vm1 =	veq.s32 v6, $0x6;
	vm0 =	veq.s32 v6, $0x7;
	[tilespmem:s13+$0x170] =	vst v13  }
.LBB2_8:
0x114: {  	p1 =	sne.s32 s20, $0xC00;
	v12 =	vsel vm2, $0x3F800000, v0;
	[tilespmem:s16+$0xFFFFFEA0] =	vst v8;
	v8 =	vsel vm1, $0x3F800000, v0;
	v13 =	vsel vm0, $0x3F800000, v0  }
0x115: {  	vm0 =	veq.s32 v6, $0x8;
	v11 =	vadd.f32 v11, v12;
	[tilespmem:s16+$0xFFFFFF20] =	vst v7;
	v7 =	vadd.f32 v13, v8  }
0x116: {  	[tilespmem:s16+$0xFFFFFFA0] =	vst v9;
	v9 =	vsel vm0, $0x3F800000, v0  }
0x117: {  	vm0 =	veq.s32 v6, $0xF;
	v11 =	vsub.f32 $1.000000000e+00, v11;
	[tilespmem:s16+$0x20] =	vst v10;
	v7 =	vadd.f32 v7, v9  }
0x118: {  	v10 =	vsel vm0, $0x3F800000, v0;
	[tilespmem:s16+$0xA0] =	vst v12  }
0x119: {  	vm0 =	veq.s32 v6, $0x10;
	[tilespmem:s16+$0x120] =	vst v11;
	v6 =	vadd.f32 v7, v10  }
0x11a: {  	v11 =	vsel vm0, $0x3F800000, v0;
	v7 =	vld [tilespmem:s17+$0x30];
	[tilespmem:s14+$0xFFFFFED0] =	vst v8  }
0x11b: {  	v6 =	vadd.f32 v6, v11;
	[tilespmem:s14+$0xFFFFFF50] =	vst v13  }
0x11c: {  	[tilespmem:s14+$0xFFFFFFD0] =	vst v9  }
0x11d: {  	v6 =	vsub.f32 $1.000000000e+00, v6;
	[tilespmem:s14+$0x50] =	vst v10  }
0x11e: {  	v8 =	vld [tilespmem:s18+$0x10];
	[tilespmem:s14+$0xD0] =	vst v11  }
0x11f: {  	vm0 =	veq.s32 v7, $0x6;
	vm1 =	veq.s32 v7, $0x7;
	[tilespmem:s14+$0x150] =	vst v6  }
0x120: {  	v6 =	vsel vm0, $0x3F800000, v0;
	v9 =	vsel vm1, $0x3F800000, v0;
	v10 =	vld [tilespmem:s15+$0x60];
	[tilespmem:s13+$0xFFFFFEF0] =	vst v2  }
0x121: {  	vm0 =	veq.s32 v7, $0x8;
	v2 =	vadd.f32 v9, v6;
	[tilespmem:s13+$0xFFFFFF70] =	vst v1  }
0x122: {  	s21 =	sshra.s32 s20, $0x2;
	v1 =	vsel vm0, $0x3F800000, v0;
	[tilespmem:s13+$0xFFFFFFF0] =	vst v3  }
0x123: {  	vm1 =	veq.s32 v7, $0xF;
	v3 =	vld [tilespmem:s21+$0x0];
	vm0 =	veq.s32 v8, $0x6;
	v2 =	vadd.f32 v2, v1;
	[tilespmem:s13+$0x70] =	vst v4  }
0x124: {  	v11 =	vsel vm1, $0x3F800000, v0;
	v4 =	vsel vm0, $0x3F800000, v0;
	vm0 =	veq.s32 v7, $0x10;
	[tilespmem:s13+$0xF0] =	vst v5;
	s13 =	smov.u32 s14;
	s14 =	smov.u32 s16;
	s16 =	smov.u32 s19  }
0x125: {  	[tilespmem:s19+$0xFFFFFE90] =	vst v4;
	v2 =	vadd.f32 v2, v11;
	vm1 =	veq.s32 v10, $0x6;
	vm2 =	veq.s32 v10, $0x7  }
0x126: {  	v5 =	vsel vm0, $0x3F800000, v0;
	[tilespmem:s14+$0xFFFFFEB0] =	vst v6;
	v6 =	vsel vm1, $0x3F800000, v0;
	v7 =	vsel vm2, $0x3F800000, v0  }
0x127: {  	vm1 =	veq.s32 v10, $0x8;
	v2 =	vadd.f32 v2, v5;
	[tilespmem:s14+$0xFFFFFF30] =	vst v9;
	v9 =	vadd.f32 v7, v6  }
0x128: {  	vm2 =	veq.s32 v3, $0xF;
	vm0 =	veq.s32 v3, $0x10;
	[tilespmem:s14+$0xFFFFFFB0] =	vst v1;
	v1 =	vsel vm1, $0x3F800000, v0  }
0x129: {  	vm3 =	veq.s32 v10, $0xF;
	v2 =	vsub.f32 $1.000000000e+00, v2;
	[tilespmem:s14+$0x30] =	vst v11;
	v9 =	vadd.f32 v9, v1  }
0x12a: {  	vm4 =	veq.s32 v8, $0x7;
	vm1 =	veq.s32 v3, $0x8;
	[tilespmem:s14+$0xB0] =	vst v5;
	v5 =	vsel vm3, $0x3F800000, v0  }
0x12b: {  	v11 =	vsel vm4, $0x3F800000, v0;
	vm3 =	veq.s32 v10, $0x10;
	[tilespmem:s14+$0x130] =	vst v2;
	v2 =	vadd.f32 v9, v5  }
0x12c: {  	vm4 =	veq.s32 v8, $0x8;
	v4 =	vadd.f32 v11, v4;
	v10 =	vsel vm3, $0x3F800000, v0;
	v9 =	vld [tilespmem:s17+$0x40];
	[tilespmem:s13+$0xFFFFFEE0] =	vst v6  }
0x12d: {  	vm3 =	veq.s32 v3, $0x6;
	v6 =	vsel vm4, $0x3F800000, v0;
	v2 =	vadd.f32 v2, v10;
	[tilespmem:s13+$0xFFFFFF60] =	vst v7  }
0x12e: {  	vm5 =	veq.s32 v8, $0xF;
	vm4 =	veq.s32 v3, $0x7;
	v3 =	vadd.f32 v4, v6;
	[tilespmem:s13+$0xFFFFFFE0] =	vst v1  }
0x12f: {  	v12 =	vsel vm2, $0x3F800000, v0;
	v1 =	vsel vm5, $0x3F800000, v0;
	v2 =	vsub.f32 $1.000000000e+00, v2;
	[tilespmem:s13+$0x60] =	vst v5  }
0x130: {  	vm2 =	veq.s32 v8, $0x10;
	v4 =	vsel vm3, $0x3F800000, v0;
	v3 =	vadd.f32 v3, v1;
	[tilespmem:s13+$0xE0] =	vst v10  }
0x131: {  	v5 =	vsel vm2, $0x3F800000, v0;
	vm2 =	veq.s32 v9, $0x6;
	vm3 =	veq.s32 v9, $0x7;
	[tilespmem:s13+$0x160] =	vst v2  }
0x132: {  	v2 =	vadd.f32 v3, v5;
	[tilespmem:s19+$0xFFFFFF10] =	vst v11;
	v3 =	vsel vm2, $0x3F800000, v0;
	v7 =	vsel vm3, $0x3F800000, v0;
	v8 =	vld [tilespmem:s15+$0x70];
	s15 =	smov.u32 s17;
	s17 =	smov.u32 s18;
	s18 =	smov.u32 s21  }
0x133: {  	v10 =	vsel vm4, $0x3F800000, v0;
	vm2 =	veq.s32 v9, $0x8;
	[tilespmem:s19+$0xFFFFFF90] =	vst v6;
	v6 =	vadd.f32 v7, v3  }
0x134: {  	v11 =	vadd.f32 v10, v4;
	v2 =	vsub.f32 $1.000000000e+00, v2;
	v13 =	vsel vm2, $0x3F800000, v0;
	[tilespmem:s19+$0x10] =	vst v1  }
0x135: {  	v14 =	vsel vm1, $0x3F800000, v0;
	vm1 =	veq.s32 v9, $0xF;
	[tilespmem:s19+$0x90] =	vst v5;
	v1 =	vadd.f32 v6, v13  }
0x136: {  	v5 =	vadd.f32 v11, v14;
	s19 =	sadd.s32 $0x400, s19;
	v6 =	vsel vm1, $0x3F800000, v0;
	vm1 =	veq.s32 v9, $0x10;
	[tilespmem:s16+$0x110] =	vst v2  }
0x137: {  	[tilespmem:s19+$0xFFFFFE80] =	vst v4;
	v11 =	vld [tilespmem:s17+$0x20];
	v4 =	vadd.f32 v1, v6;
	vm2 =	veq.s32 v8, $0x6;
	vm3 =	veq.s32 v8, $0x7  }
0x138: {  	v9 =	vsel vm1, $0x3F800000, v0;
	[tilespmem:s14+$0xFFFFFEC0] =	vst v3;
	v2 =	vsel vm2, $0x3F800000, v0;
	v1 =	vsel vm3, $0x3F800000, v0  }
0x139: {  	vm1 =	veq.s32 v8, $0x8;
	v4 =	vadd.f32 v4, v9;
	[tilespmem:s14+$0xFFFFFF40] =	vst v7;
	v7 =	vadd.f32 v1, v2  }
0x13a: {  	v15 =	vsel vm0, $0x3F800000, v0;
	v5 =	vadd.f32 v5, v12;
	v3 =	vsel vm1, $0x3F800000, v0;
	[tilespmem:s14+$0xFFFFFFC0] =	vst v13  }
0x13b: {  	vm0 =	veq.s32 v8, $0xF;
	v13 =	vsub.f32 $1.000000000e+00, v4;
	[tilespmem:s14+$0x40] =	vst v6;
	v6 =	vadd.f32 v7, v3  }
0x13c: {  	v16 =	vadd.f32 v5, v15;
	v4 =	vsel vm0, $0x3F800000, v0;
	vm1 =	veq.s32 v11, $0x6;
	[tilespmem:s14+$0xC0] =	vst v9  }
0x13d: {  	vm2 =	veq.s32 v8, $0x10;
	vm0 =	veq.s32 v11, $0x7;
	[tilespmem:s14+$0x140] =	vst v13;
	v9 =	vadd.f32 v6, v4  }
0x13e: {  	v5 =	vsel vm2, $0x3F800000, v0;
	v8 =	vsel vm1, $0x3F800000, v0;
	v7 =	vsel vm0, $0x3F800000, v0;
	[tilespmem:s19+$0xFFFFFF00] =	vst v10;
	v6 =	vld [tilespmem:s15+$0x50]  }
.Ltmp3:
0x13f: {  	vm0 =	veq.s32 v11, $0x8;
	v10 =	vadd.f32 v7, v8;
	[tilespmem:s19+$0xFFFFFF80] =	vst v14;
	v13 =	vadd.f32 v9, v5;
	(pc) =	sbr.rel @p1 .LBB2_8-.Ltmp3, $4  }
0x140: {  	v14 =	vsub.f32 $1.000000000e+00, v16;
	v9 =	vsel vm0, $0x3F800000, v0;
	[tilespmem:s19+$0x0] =	vst v12  }
0x141: {  	vm0 =	veq.s32 v11, $0xF;
	v12 =	vadd.f32 v10, v9;
	[tilespmem:s19+$0x80] =	vst v15;
	v13 =	vsub.f32 $1.000000000e+00, v13  }
0x142: {  	vm2 =	veq.s32 v11, $0x10;
	v10 =	vsel vm0, $0x3F800000, v0;
	[tilespmem:s19+$0x100] =	vst v14  }
0x143: {  	s20 =	sadd.s32 $0x200, s20;
	v11 =	vadd.f32 v12, v10;
	vm1 =	veq.s32 v6, $0x6;
	vm0 =	veq.s32 v6, $0x7;
	[tilespmem:s13+$0x170] =	vst v13  }
.Ltmp4:
0x144: {  	_ = 	snop;
	(pc) =	sbr.rel .LBB2_9-.Ltmp4, $1  }
0x145: {  	_ =	sdelay $0x3  }
.LBB2_2:
0x146: {  	[tilespmem:s13], [sflag:$0x2] =	stream.linear.gather [hbm4b:s4+s13], $0xC80, $0x38;
	[tilespmem:$0x7080] =	vst v63  }
0x147: {  	_ =	swait.ge [sflag:s9], $0xC80  }
0x148: {  	[sflag:s9] =	ssyncset.done $0x0  }
0x149: {  	[sflag:s9] =	ssyncadd.s32 $0xFFFFF380  }
.LBB2_3:
0x14a: {  	s14 =	smul.u32 $0x5, s13  }
0x14b: {  	p1 =	por $0x1, $0x1;
	s15 =	simm.s32 $0x0  }
.LBB2_4:
0x14c: {  	s15 =	sadd.s32 s14, s15  }
0x14d: {  	s16 =	sshll.u32 s15, $0x7  }
0x14e: {  	s18 =	sand.u32 $0x3FFFFF80, s16  }
0x14f: {  	v1 =	vld [tilespmem:s18+$0x0];
	_ =	sdelay $0x2  }
0x150: {  	s31 =	sadd.s32 $0x1, s15  }
0x151: {  	s17 =	sshll.u32 s31, $0x7  }
0x152: {  	s17 =	sand.u32 $0x3FFFFF80, s17;
	vm0 =	veq.s32 v1, $0x6;
	vm1 =	veq.s32 v1, $0x7  }
0x153: {  	v4 =	vld [tilespmem:s17+$0x0];
	v2 =	vsel vm0, $0x3F800000, v0;
	v3 =	vsel vm1, $0x3F800000, v0  }
0x154: {  	vm11 =	veq.s32 v1, $0x8;
	v5 =	vadd.f32 v3, v2  }
0x155: {  	v6 =	vsel vm11, $0x3F800000, v0  }
0x156: {  	vm12 =	veq.s32 v1, $0xF;
	v5 =	vadd.f32 v5, v6  }
0x157: {  	s15 =	sshll.u32 s15, $0xA;
	vm13 =	veq.s32 v1, $0x10;
	v7 =	vsel vm12, $0x3F800000, v0  }
0x158: {  	s15 =	sand.u32 $0x3FFFFC00, s15;
	vm14 =	veq.s32 v4, $0x6;
	vm2 =	veq.s32 v4, $0x7;
	v1 =	vadd.f32 v5, v7  }
0x159: {  	v12 =	vsel vm13, $0x3F800000, v0;
	[tilespmem:s15+$0xC80] =	vst v2;
	v2 =	vsel vm14, $0x3F800000, v0;
	v8 =	vsel vm2, $0x3F800000, v0  }
0x15a: {  	vm15 =	veq.s32 v4, $0x8;
	[tilespmem:s15+$0xD00] =	vst v3;
	v3 =	vadd.f32 v8, v2;
	v1 =	vadd.f32 v1, v12  }
0x15b: {  	[tilespmem:s15+$0xD80] =	vst v6;
	v13 =	vsel vm15, $0x3F800000, v0  }
0x15c: {  	vm4 =	veq.s32 v4, $0xF;
	[tilespmem:s15+$0xE00] =	vst v7;
	v3 =	vadd.f32 v3, v13;
	v1 =	vsub.f32 $1.000000000e+00, v1  }
0x15d: {  	s16 =	sshll.u32 s31, $0xA;
	[tilespmem:s15+$0xE80] =	vst v12;
	v14 =	vsel vm4, $0x3F800000, v0  }
0x15e: {  	s16 =	sand.u32 $0x3FFFFC00, s16;
	vm5 =	veq.s32 v4, $0x10;
	[tilespmem:s15+$0xF00] =	vst v1;
	v1 =	vadd.f32 v3, v14  }
0x15f: {  	v4 =	vsel vm5, $0x3F800000, v0;
	[tilespmem:s16+$0xC80] =	vst v2  }
0x160: {  	[tilespmem:s16+$0xD00] =	vst v8;
	v3 =	vld [tilespmem:s18+$0x10];
	v1 =	vadd.f32 v1, v4  }
0x161: {  	[tilespmem:s16+$0xD80] =	vst v13  }
0x162: {  	[tilespmem:s16+$0xE00] =	vst v14;
	v1 =	vsub.f32 $1.000000000e+00, v1  }
0x163: {  	[tilespmem:s16+$0xE80] =	vst v4  }
0x164: {  	[tilespmem:s16+$0xF00] =	vst v1  }
0x165: {  	vm6 =	veq.s32 v3, $0x6;
	vm7 =	veq.s32 v3, $0x7;
	v4 =	vld [tilespmem:s17+$0x10]  }
0x166: {  	v1 =	vsel vm6, $0x3F800000, v0;
	v2 =	vsel vm7, $0x3F800000, v0  }
0x167: {  	vm8 =	veq.s32 v3, $0x8;
	v15 =	vadd.f32 v2, v1  }
0x168: {  	v16 =	vsel vm8, $0x3F800000, v0  }
0x169: {  	vm9 =	veq.s32 v3, $0xF;
	vm10 =	veq.s32 v3, $0x10;
	v5 =	vadd.f32 v15, v16  }
0x16a: {  	v17 =	vsel vm9, $0x3F800000, v0;
	vm11 =	veq.s32 v4, $0x6;
	vm12 =	veq.s32 v4, $0x7  }
0x16b: {  	[tilespmem:s15+$0xC90] =	vst v1;
	v3 =	vadd.f32 v5, v17;
	v1 =	vsel vm11, $0x3F800000, v0;
	v19 =	vsel vm12, $0x3F800000, v0  }
0x16c: {  	v18 =	vsel vm10, $0x3F800000, v0;
	[tilespmem:s15+$0xD10] =	vst v2;
	vm13 =	veq.s32 v4, $0x8;
	v2 =	vadd.f32 v19, v1  }
0x16d: {  	[tilespmem:s15+$0xD90] =	vst v16;
	v20 =	vsel vm13, $0x3F800000, v0;
	v3 =	vadd.f32 v3, v18  }
0x16e: {  	[tilespmem:s15+$0xE10] =	vst v17;
	vm14 =	veq.s32 v4, $0xF;
	v2 =	vadd.f32 v2, v20  }
0x16f: {  	[tilespmem:s15+$0xE90] =	vst v18;
	v21 =	vsel vm14, $0x3F800000, v0;
	v3 =	vsub.f32 $1.000000000e+00, v3  }
0x170: {  	vm15 =	veq.s32 v4, $0x10;
	[tilespmem:s16+$0xC90] =	vst v1;
	v2 =	vadd.f32 v2, v21  }
0x171: {  	v4 =	vsel vm15, $0x3F800000, v0;
	[tilespmem:s15+$0xF10] =	vst v3  }
0x172: {  	[tilespmem:s16+$0xD10] =	vst v19;
	v3 =	vld [tilespmem:s18+$0x20];
	v1 =	vadd.f32 v2, v4  }
0x173: {  	[tilespmem:s16+$0xD90] =	vst v20  }
0x174: {  	[tilespmem:s16+$0xE10] =	vst v21;
	v1 =	vsub.f32 $1.000000000e+00, v1  }
0x175: {  	[tilespmem:s16+$0xE90] =	vst v4  }
0x176: {  	[tilespmem:s16+$0xF10] =	vst v1  }
0x177: {  	vm4 =	veq.s32 v3, $0x6;
	vm5 =	veq.s32 v3, $0x7;
	v4 =	vld [tilespmem:s17+$0x20]  }
0x178: {  	v1 =	vsel vm4, $0x3F800000, v0;
	v2 =	vsel vm5, $0x3F800000, v0  }
0x179: {  	vm6 =	veq.s32 v3, $0x8;
	v22 =	vadd.f32 v2, v1  }
0x17a: {  	v23 =	vsel vm6, $0x3F800000, v0  }
0x17b: {  	vm7 =	veq.s32 v3, $0xF;
	vm8 =	veq.s32 v3, $0x10;
	v5 =	vadd.f32 v22, v23  }
0x17c: {  	v24 =	vsel vm7, $0x3F800000, v0;
	vm9 =	veq.s32 v4, $0x6;
	vm10 =	veq.s32 v4, $0x7  }
0x17d: {  	[tilespmem:s15+$0xCA0] =	vst v1;
	v3 =	vadd.f32 v5, v24;
	v1 =	vsel vm9, $0x3F800000, v0;
	v26 =	vsel vm10, $0x3F800000, v0  }
0x17e: {  	v25 =	vsel vm8, $0x3F800000, v0;
	[tilespmem:s15+$0xD20] =	vst v2;
	vm11 =	veq.s32 v4, $0x8;
	v2 =	vadd.f32 v26, v1  }
0x17f: {  	[tilespmem:s15+$0xDA0] =	vst v23;
	v27 =	vsel vm11, $0x3F800000, v0;
	v3 =	vadd.f32 v3, v25  }
0x180: {  	[tilespmem:s15+$0xE20] =	vst v24;
	vm12 =	veq.s32 v4, $0xF;
	v2 =	vadd.f32 v2, v27  }
0x181: {  	[tilespmem:s15+$0xEA0] =	vst v25;
	v28 =	vsel vm12, $0x3F800000, v0;
	v3 =	vsub.f32 $1.000000000e+00, v3  }
0x182: {  	vm13 =	veq.s32 v4, $0x10;
	[tilespmem:s16+$0xCA0] =	vst v1;
	v2 =	vadd.f32 v2, v28  }
0x183: {  	v4 =	vsel vm13, $0x3F800000, v0;
	[tilespmem:s15+$0xF20] =	vst v3  }
0x184: {  	[tilespmem:s16+$0xD20] =	vst v26;
	v3 =	vld [tilespmem:s18+$0x30];
	v1 =	vadd.f32 v2, v4  }
0x185: {  	[tilespmem:s16+$0xDA0] =	vst v27  }
0x186: {  	[tilespmem:s16+$0xE20] =	vst v28;
	v1 =	vsub.f32 $1.000000000e+00, v1  }
0x187: {  	[tilespmem:s16+$0xEA0] =	vst v4  }
0x188: {  	[tilespmem:s16+$0xF20] =	vst v1  }
0x189: {  	vm14 =	veq.s32 v3, $0x6;
	vm15 =	veq.s32 v3, $0x7;
	v4 =	vld [tilespmem:s17+$0x30]  }
0x18a: {  	v1 =	vsel vm14, $0x3F800000, v0;
	v2 =	vsel vm15, $0x3F800000, v0  }
0x18b: {  	vm4 =	veq.s32 v3, $0x8;
	v29 =	vadd.f32 v2, v1  }
0x18c: {  	v30 =	vsel vm4, $0x3F800000, v0  }
0x18d: {  	vm5 =	veq.s32 v3, $0xF;
	vm6 =	veq.s32 v3, $0x10;
	v5 =	vadd.f32 v29, v30  }
0x18e: {  	v31 =	vsel vm5, $0x3F800000, v0;
	vm7 =	veq.s32 v4, $0x6;
	vm8 =	veq.s32 v4, $0x7  }
0x18f: {  	[tilespmem:s15+$0xCB0] =	vst v1;
	v3 =	vadd.f32 v5, v31;
	v1 =	vsel vm7, $0x3F800000, v0;
	v33 =	vsel vm8, $0x3F800000, v0  }
0x190: {  	v32 =	vsel vm6, $0x3F800000, v0;
	[tilespmem:s15+$0xD30] =	vst v2;
	vm9 =	veq.s32 v4, $0x8;
	v2 =	vadd.f32 v33, v1  }
0x191: {  	[tilespmem:s15+$0xDB0] =	vst v30;
	v34 =	vsel vm9, $0x3F800000, v0;
	v3 =	vadd.f32 v3, v32  }
0x192: {  	[tilespmem:s15+$0xE30] =	vst v31;
	vm10 =	veq.s32 v4, $0xF;
	v2 =	vadd.f32 v2, v34  }
0x193: {  	[tilespmem:s15+$0xEB0] =	vst v32;
	v35 =	vsel vm10, $0x3F800000, v0;
	v3 =	vsub.f32 $1.000000000e+00, v3  }
0x194: {  	vm11 =	veq.s32 v4, $0x10;
	[tilespmem:s16+$0xCB0] =	vst v1;
	v2 =	vadd.f32 v2, v35  }
0x195: {  	v4 =	vsel vm11, $0x3F800000, v0;
	[tilespmem:s15+$0xF30] =	vst v3  }
0x196: {  	[tilespmem:s16+$0xD30] =	vst v33;
	v3 =	vld [tilespmem:s18+$0x40];
	v1 =	vadd.f32 v2, v4  }
0x197: {  	[tilespmem:s16+$0xDB0] =	vst v34  }
0x198: {  	[tilespmem:s16+$0xE30] =	vst v35;
	v1 =	vsub.f32 $1.000000000e+00, v1  }
0x199: {  	[tilespmem:s16+$0xEB0] =	vst v4  }
0x19a: {  	[tilespmem:s16+$0xF30] =	vst v1  }
0x19b: {  	vm12 =	veq.s32 v3, $0x6;
	vm13 =	veq.s32 v3, $0x7;
	v4 =	vld [tilespmem:s17+$0x40]  }
0x19c: {  	v1 =	vsel vm12, $0x3F800000, v0;
	v2 =	vsel vm13, $0x3F800000, v0  }
0x19d: {  	vm14 =	veq.s32 v3, $0x8;
	v36 =	vadd.f32 v2, v1  }
0x19e: {  	v37 =	vsel vm14, $0x3F800000, v0  }
0x19f: {  	vm15 =	veq.s32 v3, $0xF;
	vm4 =	veq.s32 v3, $0x10;
	v5 =	vadd.f32 v36, v37  }
0x1a0: {  	v38 =	vsel vm15, $0x3F800000, v0;
	vm5 =	veq.s32 v4, $0x6;
	vm6 =	veq.s32 v4, $0x7  }
0x1a1: {  	[tilespmem:s15+$0xCC0] =	vst v1;
	v3 =	vadd.f32 v5, v38;
	v1 =	vsel vm5, $0x3F800000, v0;
	v40 =	vsel vm6, $0x3F800000, v0  }
0x1a2: {  	v39 =	vsel vm4, $0x3F800000, v0;
	[tilespmem:s15+$0xD40] =	vst v2;
	vm7 =	veq.s32 v4, $0x8;
	v2 =	vadd.f32 v40, v1  }
0x1a3: {  	[tilespmem:s15+$0xDC0] =	vst v37;
	v41 =	vsel vm7, $0x3F800000, v0;
	v3 =	vadd.f32 v3, v39  }
0x1a4: {  	[tilespmem:s15+$0xE40] =	vst v38;
	vm8 =	veq.s32 v4, $0xF;
	v2 =	vadd.f32 v2, v41  }
0x1a5: {  	[tilespmem:s15+$0xEC0] =	vst v39;
	v42 =	vsel vm8, $0x3F800000, v0;
	v3 =	vsub.f32 $1.000000000e+00, v3  }
0x1a6: {  	vm9 =	veq.s32 v4, $0x10;
	[tilespmem:s16+$0xCC0] =	vst v1;
	v2 =	vadd.f32 v2, v42  }
0x1a7: {  	v4 =	vsel vm9, $0x3F800000, v0;
	[tilespmem:s15+$0xF40] =	vst v3  }
0x1a8: {  	[tilespmem:s16+$0xD40] =	vst v40;
	v3 =	vld [tilespmem:s18+$0x50];
	v1 =	vadd.f32 v2, v4  }
0x1a9: {  	[tilespmem:s16+$0xDC0] =	vst v41  }
0x1aa: {  	[tilespmem:s16+$0xE40] =	vst v42;
	v1 =	vsub.f32 $1.000000000e+00, v1  }
0x1ab: {  	[tilespmem:s16+$0xEC0] =	vst v4  }
0x1ac: {  	[tilespmem:s16+$0xF40] =	vst v1  }
0x1ad: {  	vm10 =	veq.s32 v3, $0x6;
	vm11 =	veq.s32 v3, $0x7;
	v4 =	vld [tilespmem:s17+$0x50]  }
0x1ae: {  	v1 =	vsel vm10, $0x3F800000, v0;
	v2 =	vsel vm11, $0x3F800000, v0  }
0x1af: {  	vm12 =	veq.s32 v3, $0x8;
	v43 =	vadd.f32 v2, v1  }
0x1b0: {  	v44 =	vsel vm12, $0x3F800000, v0  }
0x1b1: {  	vm13 =	veq.s32 v3, $0xF;
	vm14 =	veq.s32 v3, $0x10;
	v5 =	vadd.f32 v43, v44  }
0x1b2: {  	v45 =	vsel vm13, $0x3F800000, v0;
	vm15 =	veq.s32 v4, $0x6;
	vm4 =	veq.s32 v4, $0x7  }
0x1b3: {  	[tilespmem:s15+$0xCD0] =	vst v1;
	v3 =	vadd.f32 v5, v45;
	v1 =	vsel vm15, $0x3F800000, v0;
	v47 =	vsel vm4, $0x3F800000, v0  }
0x1b4: {  	v46 =	vsel vm14, $0x3F800000, v0;
	[tilespmem:s15+$0xD50] =	vst v2;
	vm5 =	veq.s32 v4, $0x8;
	v2 =	vadd.f32 v47, v1  }
0x1b5: {  	[tilespmem:s15+$0xDD0] =	vst v44;
	v48 =	vsel vm5, $0x3F800000, v0;
	v3 =	vadd.f32 v3, v46  }
0x1b6: {  	[tilespmem:s15+$0xE50] =	vst v45;
	vm6 =	veq.s32 v4, $0xF;
	v2 =	vadd.f32 v2, v48  }
0x1b7: {  	[tilespmem:s15+$0xED0] =	vst v46;
	v49 =	vsel vm6, $0x3F800000, v0;
	v3 =	vsub.f32 $1.000000000e+00, v3  }
0x1b8: {  	vm7 =	veq.s32 v4, $0x10;
	[tilespmem:s16+$0xCD0] =	vst v1;
	v2 =	vadd.f32 v2, v49  }
0x1b9: {  	v4 =	vsel vm7, $0x3F800000, v0;
	[tilespmem:s15+$0xF50] =	vst v3  }
0x1ba: {  	[tilespmem:s16+$0xD50] =	vst v47;
	v3 =	vld [tilespmem:s18+$0x60];
	v1 =	vadd.f32 v2, v4  }
0x1bb: {  	[tilespmem:s16+$0xDD0] =	vst v48  }
0x1bc: {  	[tilespmem:s16+$0xE50] =	vst v49;
	v1 =	vsub.f32 $1.000000000e+00, v1  }
0x1bd: {  	[tilespmem:s16+$0xED0] =	vst v4  }
0x1be: {  	[tilespmem:s16+$0xF50] =	vst v1  }
0x1bf: {  	vm8 =	veq.s32 v3, $0x6;
	vm9 =	veq.s32 v3, $0x7;
	v4 =	vld [tilespmem:s17+$0x60]  }
0x1c0: {  	v1 =	vsel vm8, $0x3F800000, v0;
	v2 =	vsel vm9, $0x3F800000, v0  }
0x1c1: {  	vm10 =	veq.s32 v3, $0x8;
	v50 =	vadd.f32 v2, v1  }
0x1c2: {  	v51 =	vsel vm10, $0x3F800000, v0  }
0x1c3: {  	vm11 =	veq.s32 v3, $0xF;
	vm12 =	veq.s32 v3, $0x10;
	v5 =	vadd.f32 v50, v51  }
0x1c4: {  	v52 =	vsel vm11, $0x3F800000, v0;
	vm13 =	veq.s32 v4, $0x6;
	vm14 =	veq.s32 v4, $0x7  }
0x1c5: {  	[tilespmem:s15+$0xCE0] =	vst v1;
	v3 =	vadd.f32 v5, v52;
	v1 =	vsel vm13, $0x3F800000, v0;
	v54 =	vsel vm14, $0x3F800000, v0  }
0x1c6: {  	v53 =	vsel vm12, $0x3F800000, v0;
	[tilespmem:s15+$0xD60] =	vst v2;
	vm15 =	veq.s32 v4, $0x8;
	v2 =	vadd.f32 v54, v1  }
0x1c7: {  	[tilespmem:s15+$0xDE0] =	vst v51;
	v55 =	vsel vm15, $0x3F800000, v0;
	v3 =	vadd.f32 v3, v53  }
0x1c8: {  	[tilespmem:s15+$0xE60] =	vst v52;
	vm4 =	veq.s32 v4, $0xF;
	v2 =	vadd.f32 v2, v55  }
0x1c9: {  	[tilespmem:s15+$0xEE0] =	vst v53;
	v56 =	vsel vm4, $0x3F800000, v0;
	v3 =	vsub.f32 $1.000000000e+00, v3  }
0x1ca: {  	vm5 =	veq.s32 v4, $0x10;
	[tilespmem:s16+$0xCE0] =	vst v1;
	v2 =	vadd.f32 v2, v56  }
0x1cb: {  	v4 =	vsel vm5, $0x3F800000, v0;
	[tilespmem:s15+$0xF60] =	vst v3  }
0x1cc: {  	[tilespmem:s16+$0xD60] =	vst v54;
	v3 =	vld [tilespmem:s18+$0x70];
	v1 =	vadd.f32 v2, v4  }
0x1cd: {  	[tilespmem:s16+$0xDE0] =	vst v55  }
0x1ce: {  	[tilespmem:s16+$0xE60] =	vst v56;
	v1 =	vsub.f32 $1.000000000e+00, v1  }
0x1cf: {  	[tilespmem:s16+$0xEE0] =	vst v4  }
0x1d0: {  	[tilespmem:s16+$0xF60] =	vst v1  }
0x1d1: {  	vm6 =	veq.s32 v3, $0x6;
	vm7 =	veq.s32 v3, $0x7;
	v4 =	vld [tilespmem:s17+$0x70]  }
0x1d2: {  	v1 =	vsel vm6, $0x3F800000, v0;
	v2 =	vsel vm7, $0x3F800000, v0  }
0x1d3: {  	vm8 =	veq.s32 v3, $0x8;
	v57 =	vadd.f32 v2, v1  }
0x1d4: {  	v58 =	vsel vm8, $0x3F800000, v0  }
0x1d5: {  	vm9 =	veq.s32 v3, $0xF;
	vm10 =	veq.s32 v3, $0x10;
	v5 =	vadd.f32 v57, v58  }
0x1d6: {  	v59 =	vsel vm9, $0x3F800000, v0;
	vm11 =	veq.s32 v4, $0x6;
	vm12 =	veq.s32 v4, $0x7  }
0x1d7: {  	[tilespmem:s15+$0xCF0] =	vst v1;
	v3 =	vadd.f32 v5, v59;
	v61 =	vsel vm11, $0x3F800000, v0;
	v1 =	vsel vm12, $0x3F800000, v0  }
0x1d8: {  	v60 =	vsel vm10, $0x3F800000, v0;
	[tilespmem:s15+$0xD70] =	vst v2;
	vm13 =	veq.s32 v4, $0x8;
	v2 =	vadd.f32 v1, v61  }
0x1d9: {  	[tilespmem:s15+$0xDF0] =	vst v58;
	v62 =	vsel vm13, $0x3F800000, v0;
	v3 =	vadd.f32 v3, v60  }
0x1da: {  	[tilespmem:s15+$0xE70] =	vst v59;
	vm14 =	veq.s32 v4, $0xF;
	v2 =	vadd.f32 v2, v62  }
0x1db: {  	[tilespmem:s15+$0xEF0] =	vst v60;
	v63 =	vsel vm14, $0x3F800000, v0;
	v3 =	vsub.f32 $1.000000000e+00, v3  }
0x1dc: {  	vm15 =	veq.s32 v4, $0x10;
	[tilespmem:s16+$0xCF0] =	vst v61;
	v2 =	vadd.f32 v2, v63  }
0x1dd: {  	p2 =	por p1, p1;
	[tilespmem:s15+$0xF70] =	vst v3;
	v3 =	vsel vm15, $0x3F800000, v0  }
.Ltmp5:
0x1de: {  	[tilespmem:s16+$0xD70] =	vst v1;
	v2 =	vadd.f32 v2, v3;
	(pc) =	sbr.rel @p2 .LBB2_4-.Ltmp5, $4  }
0x1df: {  	[tilespmem:s16+$0xDF0] =	vst v62  }
0x1e0: {  	[tilespmem:s16+$0xE70] =	vst v63;
	v1 =	vsub.f32 $1.000000000e+00, v2  }
0x1e1: {  	[tilespmem:s16+$0xEF0] =	vst v3  }
0x1e2: {  	p1 =	por $0x0, $0x0;
	s15 =	simm.s32 $0x2;
	[tilespmem:s16+$0xF70] =	vst v1  }
0x1e3: {  	s15 =	sadd.s32 $0x4, s14  }
0x1e4: {  	s16 =	sshll.u32 s15, $0x7  }
0x1e5: {  	s16 =	sand.u32 $0x3FFFFF80, s16  }
0x1e6: {  	v1 =	vld [tilespmem:s16+$0x0];
	_ =	sdelay $0x4  }
0x1e7: {  	vm0 =	veq.s32 v1, $0x6;
	vm1 =	veq.s32 v1, $0x7  }
0x1e8: {  	v2 =	vsel vm0, $0x3F800000, v0;
	v3 =	vsel vm1, $0x3F800000, v0  }
0x1e9: {  	vm14 =	veq.s32 v1, $0x8;
	v4 =	vadd.f32 v3, v2  }
0x1ea: {  	v5 =	vsel vm14, $0x3F800000, v0  }
0x1eb: {  	vm15 =	veq.s32 v1, $0xF;
	v4 =	vadd.f32 v4, v5  }
0x1ec: {  	s15 =	sshll.u32 s15, $0xA;
	v6 =	vsel vm15, $0x3F800000, v0  }
0x1ed: {  	s15 =	sand.u32 $0x3FFFFC00, s15;
	vm4 =	veq.s32 v1, $0x10;
	v1 =	vadd.f32 v4, v6  }
0x1ee: {  	v35 =	vsel vm4, $0x3F800000, v0;
	[tilespmem:s15+$0xC80] =	vst v2  }
0x1ef: {  	[tilespmem:s15+$0xD00] =	vst v3;
	v1 =	vadd.f32 v1, v35  }
0x1f0: {  	[tilespmem:s15+$0xD80] =	vst v5  }
0x1f1: {  	[tilespmem:s15+$0xE00] =	vst v6;
	v1 =	vsub.f32 $1.000000000e+00, v1  }
0x1f2: {  	[tilespmem:s15+$0xE80] =	vst v35  }
0x1f3: {  	[tilespmem:s15+$0xF00] =	vst v1  }
0x1f4: {  	v1 =	vld [tilespmem:s16+$0x10];
	_ =	sdelay $0x4  }
0x1f5: {  	vm5 =	veq.s32 v1, $0x6;
	vm6 =	veq.s32 v1, $0x7  }
0x1f6: {  	v2 =	vsel vm5, $0x3F800000, v0;
	v3 =	vsel vm6, $0x3F800000, v0  }
0x1f7: {  	vm7 =	veq.s32 v1, $0x8;
	v36 =	vadd.f32 v3, v2  }
0x1f8: {  	v37 =	vsel vm7, $0x3F800000, v0  }
0x1f9: {  	vm8 =	veq.s32 v1, $0xF;
	v4 =	vadd.f32 v36, v37  }
0x1fa: {  	v38 =	vsel vm8, $0x3F800000, v0  }
0x1fb: {  	vm9 =	veq.s32 v1, $0x10;
	v1 =	vadd.f32 v4, v38  }
0x1fc: {  	v39 =	vsel vm9, $0x3F800000, v0;
	[tilespmem:s15+$0xC90] =	vst v2  }
0x1fd: {  	[tilespmem:s15+$0xD10] =	vst v3;
	v1 =	vadd.f32 v1, v39  }
0x1fe: {  	[tilespmem:s15+$0xD90] =	vst v37  }
0x1ff: {  	[tilespmem:s15+$0xE10] =	vst v38;
	v1 =	vsub.f32 $1.000000000e+00, v1  }
0x200: {  	[tilespmem:s15+$0xE90] =	vst v39  }
0x201: {  	[tilespmem:s15+$0xF10] =	vst v1  }
0x202: {  	v1 =	vld [tilespmem:s16+$0x20];
	_ =	sdelay $0x4  }
0x203: {  	vm10 =	veq.s32 v1, $0x6;
	vm11 =	veq.s32 v1, $0x7  }
0x204: {  	v2 =	vsel vm10, $0x3F800000, v0;
	v3 =	vsel vm11, $0x3F800000, v0  }
0x205: {  	vm12 =	veq.s32 v1, $0x8;
	v40 =	vadd.f32 v3, v2  }
0x206: {  	v41 =	vsel vm12, $0x3F800000, v0  }
0x207: {  	vm13 =	veq.s32 v1, $0xF;
	v4 =	vadd.f32 v40, v41  }
0x208: {  	v42 =	vsel vm13, $0x3F800000, v0  }
0x209: {  	vm14 =	veq.s32 v1, $0x10;
	v1 =	vadd.f32 v4, v42  }
0x20a: {  	v43 =	vsel vm14, $0x3F800000, v0;
	[tilespmem:s15+$0xCA0] =	vst v2  }
0x20b: {  	[tilespmem:s15+$0xD20] =	vst v3;
	v1 =	vadd.f32 v1, v43  }
0x20c: {  	[tilespmem:s15+$0xDA0] =	vst v41  }
0x20d: {  	[tilespmem:s15+$0xE20] =	vst v42;
	v1 =	vsub.f32 $1.000000000e+00, v1  }
0x20e: {  	[tilespmem:s15+$0xEA0] =	vst v43  }
0x20f: {  	[tilespmem:s15+$0xF20] =	vst v1  }
0x210: {  	v1 =	vld [tilespmem:s16+$0x30];
	_ =	sdelay $0x4  }
0x211: {  	vm15 =	veq.s32 v1, $0x6;
	vm4 =	veq.s32 v1, $0x7  }
0x212: {  	v2 =	vsel vm15, $0x3F800000, v0;
	v3 =	vsel vm4, $0x3F800000, v0  }
0x213: {  	vm5 =	veq.s32 v1, $0x8;
	v44 =	vadd.f32 v3, v2  }
0x214: {  	v45 =	vsel vm5, $0x3F800000, v0  }
0x215: {  	vm6 =	veq.s32 v1, $0xF;
	v4 =	vadd.f32 v44, v45  }
0x216: {  	v46 =	vsel vm6, $0x3F800000, v0  }
0x217: {  	vm7 =	veq.s32 v1, $0x10;
	v1 =	vadd.f32 v4, v46  }
0x218: {  	v47 =	vsel vm7, $0x3F800000, v0;
	[tilespmem:s15+$0xCB0] =	vst v2  }
0x219: {  	[tilespmem:s15+$0xD30] =	vst v3;
	v1 =	vadd.f32 v1, v47  }
0x21a: {  	[tilespmem:s15+$0xDB0] =	vst v45  }
0x21b: {  	[tilespmem:s15+$0xE30] =	vst v46;
	v1 =	vsub.f32 $1.000000000e+00, v1  }
0x21c: {  	[tilespmem:s15+$0xEB0] =	vst v47  }
0x21d: {  	[tilespmem:s15+$0xF30] =	vst v1  }
0x21e: {  	v1 =	vld [tilespmem:s16+$0x40];
	_ =	sdelay $0x4  }
0x21f: {  	vm8 =	veq.s32 v1, $0x6;
	vm9 =	veq.s32 v1, $0x7  }
0x220: {  	v2 =	vsel vm8, $0x3F800000, v0;
	v3 =	vsel vm9, $0x3F800000, v0  }
0x221: {  	vm10 =	veq.s32 v1, $0x8;
	v48 =	vadd.f32 v3, v2  }
0x222: {  	v49 =	vsel vm10, $0x3F800000, v0  }
0x223: {  	vm11 =	veq.s32 v1, $0xF;
	v4 =	vadd.f32 v48, v49  }
0x224: {  	v50 =	vsel vm11, $0x3F800000, v0  }
0x225: {  	vm12 =	veq.s32 v1, $0x10;
	v1 =	vadd.f32 v4, v50  }
0x226: {  	v51 =	vsel vm12, $0x3F800000, v0;
	[tilespmem:s15+$0xCC0] =	vst v2  }
0x227: {  	[tilespmem:s15+$0xD40] =	vst v3;
	v1 =	vadd.f32 v1, v51  }
0x228: {  	[tilespmem:s15+$0xDC0] =	vst v49  }
0x229: {  	[tilespmem:s15+$0xE40] =	vst v50;
	v1 =	vsub.f32 $1.000000000e+00, v1  }
0x22a: {  	[tilespmem:s15+$0xEC0] =	vst v51  }
0x22b: {  	[tilespmem:s15+$0xF40] =	vst v1  }
0x22c: {  	v1 =	vld [tilespmem:s16+$0x50];
	_ =	sdelay $0x4  }
0x22d: {  	vm13 =	veq.s32 v1, $0x6;
	vm14 =	veq.s32 v1, $0x7  }
0x22e: {  	v2 =	vsel vm13, $0x3F800000, v0;
	v3 =	vsel vm14, $0x3F800000, v0  }
0x22f: {  	vm15 =	veq.s32 v1, $0x8;
	v52 =	vadd.f32 v3, v2  }
0x230: {  	v53 =	vsel vm15, $0x3F800000, v0  }
0x231: {  	vm4 =	veq.s32 v1, $0xF;
	v4 =	vadd.f32 v52, v53  }
0x232: {  	v54 =	vsel vm4, $0x3F800000, v0  }
0x233: {  	vm5 =	veq.s32 v1, $0x10;
	v1 =	vadd.f32 v4, v54  }
0x234: {  	v55 =	vsel vm5, $0x3F800000, v0;
	[tilespmem:s15+$0xCD0] =	vst v2  }
0x235: {  	[tilespmem:s15+$0xD50] =	vst v3;
	v1 =	vadd.f32 v1, v55  }
0x236: {  	[tilespmem:s15+$0xDD0] =	vst v53  }
0x237: {  	[tilespmem:s15+$0xE50] =	vst v54;
	v1 =	vsub.f32 $1.000000000e+00, v1  }
0x238: {  	[tilespmem:s15+$0xED0] =	vst v55  }
0x239: {  	[tilespmem:s15+$0xF50] =	vst v1  }
0x23a: {  	v1 =	vld [tilespmem:s16+$0x60];
	_ =	sdelay $0x4  }
0x23b: {  	vm6 =	veq.s32 v1, $0x6;
	vm7 =	veq.s32 v1, $0x7  }
0x23c: {  	v2 =	vsel vm6, $0x3F800000, v0;
	v3 =	vsel vm7, $0x3F800000, v0  }
0x23d: {  	vm8 =	veq.s32 v1, $0x8;
	v56 =	vadd.f32 v3, v2  }
0x23e: {  	v57 =	vsel vm8, $0x3F800000, v0  }
0x23f: {  	vm9 =	veq.s32 v1, $0xF;
	v4 =	vadd.f32 v56, v57  }
0x240: {  	v58 =	vsel vm9, $0x3F800000, v0  }
0x241: {  	vm10 =	veq.s32 v1, $0x10;
	v1 =	vadd.f32 v4, v58  }
0x242: {  	v59 =	vsel vm10, $0x3F800000, v0;
	[tilespmem:s15+$0xCE0] =	vst v2  }
0x243: {  	[tilespmem:s15+$0xD60] =	vst v3;
	v1 =	vadd.f32 v1, v59  }
0x244: {  	[tilespmem:s15+$0xDE0] =	vst v57  }
0x245: {  	[tilespmem:s15+$0xE60] =	vst v58;
	v1 =	vsub.f32 $1.000000000e+00, v1  }
0x246: {  	[tilespmem:s15+$0xEE0] =	vst v59  }
0x247: {  	[tilespmem:s15+$0xF60] =	vst v1  }
0x248: {  	v1 =	vld [tilespmem:s16+$0x70];
	_ =	sdelay $0x4  }
0x249: {  	vm11 =	veq.s32 v1, $0x6;
	vm12 =	veq.s32 v1, $0x7  }
0x24a: {  	v2 =	vsel vm11, $0x3F800000, v0;
	v3 =	vsel vm12, $0x3F800000, v0  }
0x24b: {  	vm13 =	veq.s32 v1, $0x8;
	v60 =	vadd.f32 v3, v2  }
0x24c: {  	v61 =	vsel vm13, $0x3F800000, v0  }
0x24d: {  	vm14 =	veq.s32 v1, $0xF;
	v4 =	vadd.f32 v60, v61  }
0x24e: {  	v62 =	vsel vm14, $0x3F800000, v0  }
0x24f: {  	vm15 =	veq.s32 v1, $0x10;
	v1 =	vadd.f32 v4, v62  }
0x250: {  	s29 =	smul.u32 $0x5000, s13;
	s13 =	sadd.s32 $0x1, s13;
	v63 =	vsel vm15, $0x3F800000, v0;
	[tilespmem:s15+$0xCF0] =	vst v2  }
0x251: {  	p1 =	sne.s32 s13, $0x5;
	[tilespmem:s15+$0xD70] =	vst v3;
	v1 =	vadd.f32 v1, v63  }
.Ltmp6:
0x252: {  	[tilespmem:s15+$0xDF0] =	vst v61;
	(pc) =	sbr.rel @p1 .LBB2_3-.Ltmp6, $4  }
0x253: {  	s30 =	sadd.s32 s5, s14;
	[tilespmem:s15+$0xE70] =	vst v62;
	v1 =	vsub.f32 $1.000000000e+00, v1  }
0x254: {  	s14 =	sshll.u32 s30, $0x7;
	s16 =	sshra.s32 s29, $0x2;
	[tilespmem:s15+$0xEF0] =	vst v63  }
0x255: {  	s14 =	sadd.s32 s3, s14;
	s31 =	sadd.s32 $0xC80, s16;
	[tilespmem:s15+$0xF70] =	vst v1  }
0x256: {  	[hbm4b:s14+s2] =	stream.linear.scatter [tilespmem:s31], [sflag:$0x1], $0x1400, $0x38;
	[tilespmem:$0x7080] =	vst v63  }
.Ltmp7:
0x257: {  	(pc) =	sbr.rel .LBB2_10-.Ltmp7, $4  }
0x258: {  	_ = 	snop  }
0x259: {  	_ =	swait.ge [sflag:s11], $0x6400  }
0x25a: {  	[sflag:s11] =	ssyncset.done $0x0  }
0x25b: {  	[sflag:s11] =	ssyncadd.s32 $0xFFFF9C00  }
.LBB2_11:
0x25c: {  	_ =	sfence.sel $0x180000  }
0x25d: {  	[bflag:$0x0] =	sbarrier.arrive $0xFFFF  }
0x25e: {  	p0 =	sne.s32 s0, $0x0;
	_ =	strace $0x90000047  }
0x25f: {  	s0 =	sadd.s32 @!p0 $0x100000, s1;
	[bflag:$0x2] =	sbarrier.arrive $0xFFFF  }
0x260: {  	[sflag:s0] =	ssyncadd.tile.s32 @!p0 $0x1;
	_ =	shalt  }
.Lfunc_end2:
_tile_overlayer_lowered:
.L_overlay_start_2:
0x261: {  	(tag) =	ssettag $0x2  }
0x262: {  	s0 =	rddreg [dreg:$0x0];
	s2 =	stileid.u32  }
0x263: {  	s1 =	rddreg [dreg:$0x1];
	p0 =	sne.s32 s2, $0x0  }
0x264: {  	s3 =	rddreg [dreg:$0x2];
	[bflag:$0x3] =	sbarrier.arrive $0xFFFF;
	s2 =	simm.s32 @!p0 $0x1C02  }
0x265: {  	[timem:s3], [sflag:s2] =	dma.local @!p0 [hbm:s0], s1  }
0x266: {  	s0 =	simm.s32 @!p0 $0x2  }
0x267: {  	_ =	swait.ge @!p0 [sflag:s0], s1  }
0x268: {  	s1 =	ssub.s32 @!p0 $0x0, s1;
	[sflag:s0] =	ssyncset.done @!p0 $0x0  }
0x269: {  	[sflag:s0] =	ssyncadd.s32 @!p0 s1  }
0x26a: {  	[bflag:$0x3] =	sbarrier.arrive $0xFFFF  }
0x26b: {  	_ =	shalt  }

</sc_bundles>
